<compile_context>
chip_gen: v7x
topology: tpu7x:2x2x1
jax: 0.10.2.dev20260603
libtpu: 0.0.44.dev20260713+nightly
codegen_flags: <defaults>
</compile_context>

<pallas_src>
import functools

import jax
import jax.numpy as jnp
from jax import lax
from jax.experimental import pallas as pl
from jax.experimental.pallas import tpu as pltpu
from jax.experimental.pallas import tpu_sc as plsc

N_NODES = 10000
N_EDGES = 320000
FEAT_DIM = 128
NHID = 16
NUM_CLASS = 40

NC = 2
NS = 16
NW = NC * NS
E_PER_W = N_EDGES // NW
BATCH = 125
NB = E_PER_W // BATCH
N_PAD = 10240
ROWS_PER_TILE = N_PAD // NS
SUP_PER_TILE = N_NODES // NS


GB = 8
NCH = NB // GB


def _stage_common(edges_hbm, wid, s, src_v, dst_v, drain_v, acc_sh):
    pltpu.sync_copy(edges_hbm.at[0, pl.ds(wid * E_PER_W, E_PER_W)], src_v)
    pltpu.sync_copy(edges_hbm.at[1, pl.ds(wid * E_PER_W, E_PER_W)], dst_v)
    zero16 = jnp.zeros((16,), jnp.float32)

    def zrow(i, carry):
        for u in range(16):
            drain_v[i * 16 + u] = zero16
        return carry

    lax.fori_loop(0, ROWS_PER_TILE // 16, zrow, 0)
    pltpu.sync_copy(drain_v, acc_sh.at[pl.ds(s * ROWS_PER_TILE, ROWS_PER_TILE)])


def _agg_loop(s, c, src_v, dst_v, rows_v, drain_v, acc_sh, sup_sh, gsem, ssem,
              out_hbm):
    CH = GB * BATCH

    def gather(q, b):
        pltpu.async_copy(sup_sh.at[src_v.at[pl.ds(q * CH, CH)]], rows_v.at[b],
                         gsem.at[b])

    def gather_wait(q, b):
        pltpu.make_async_copy(sup_sh.at[src_v.at[pl.ds(q * CH, CH)]],
                              rows_v.at[b], gsem.at[b]).wait()

    def scat(q, b):
        pltpu.async_copy(rows_v.at[b], acc_sh.at[dst_v.at[pl.ds(q * CH, CH)]],
                         ssem.at[b], add=True)

    def scat_wait(q, b):
        pltpu.make_async_copy(rows_v.at[b],
                              acc_sh.at[dst_v.at[pl.ds(q * CH, CH)]],
                              ssem.at[b]).wait()

    gather(0, 0)

    def step(q, carry):
        b = lax.rem(q, 2)
        gather_wait(q, b)

        @pl.when(q >= 1)
        def _():
            scat_wait(q - 1, 1 - b)

        @pl.when(q + 1 < NCH)
        def _():
            gather(q + 1, 1 - b)

        scat(q, b)
        return carry

    lax.fori_loop(0, NCH, step, 0)
    scat_wait(NCH - 1, (NCH - 1) % 2)
    plsc.subcore_barrier()
    pltpu.sync_copy(acc_sh.at[pl.ds(s * ROWS_PER_TILE, ROWS_PER_TILE)], drain_v)
    if out_hbm.shape[2] == NHID:
        pltpu.sync_copy(drain_v,
                        out_hbm.at[c, pl.ds(s * ROWS_PER_TILE, ROWS_PER_TILE)])
    else:
        pltpu.sync_copy(drain_v,
                        out_hbm.at[c, pl.ds(s * ROWS_PER_TILE, ROWS_PER_TILE),
                                   pl.ds(0, NHID)])


def _agg1_body(sup_hbm, edges_hbm, out_hbm,
               src_v, dst_v, rows_v, drain_v, acc_sh, sup_sh, gsem, ssem):
    c = lax.axis_index("c")
    s = lax.axis_index("s")
    wid = c * NS + s
    _stage_common(edges_hbm, wid, s, src_v, dst_v, drain_v, acc_sh)
    pltpu.sync_copy(sup_hbm.at[pl.ds(s * SUP_PER_TILE, SUP_PER_TILE),
                               pl.ds(0, NHID)],
                    sup_sh.at[pl.ds(s * SUP_PER_TILE, SUP_PER_TILE)])
    plsc.subcore_barrier()
    _agg_loop(s, c, src_v, dst_v, rows_v, drain_v, acc_sh, sup_sh, gsem, ssem,
              out_hbm)


def _agg2_body(part_hbm, edges_hbm, b_hbm, out_hbm,
               src_v, dst_v, rows_v, drain_v, acc_sh, sup_sh, p0_v, p1_v, b_v,
               gsem, ssem):
    c = lax.axis_index("c")
    s = lax.axis_index("s")
    wid = c * NS + s
    _stage_common(edges_hbm, wid, s, src_v, dst_v, drain_v, acc_sh)
    pltpu.sync_copy(part_hbm.at[0, pl.ds(s * SUP_PER_TILE, SUP_PER_TILE)], p0_v)
    pltpu.sync_copy(part_hbm.at[1, pl.ds(s * SUP_PER_TILE, SUP_PER_TILE)], p1_v)
    pltpu.sync_copy(b_hbm, b_v)
    bvec = b_v[...]

    def row(i, carry):
        for u in range(25):
            j = i * 25 + u
            p0_v[j] = jnp.maximum(p0_v[j] + p1_v[j] + bvec, 0.0)
        return carry

    lax.fori_loop(0, SUP_PER_TILE // 25, row, 0)
    pltpu.sync_copy(p0_v, sup_sh.at[pl.ds(s * SUP_PER_TILE, SUP_PER_TILE)])
    plsc.subcore_barrier()
    _agg_loop(s, c, src_v, dst_v, rows_v, drain_v, acc_sh, sup_sh, gsem, ssem,
              out_hbm)


_SCRATCH_COMMON = [
    pltpu.VMEM((E_PER_W,), jnp.int32),
    pltpu.VMEM((E_PER_W,), jnp.int32),
    pltpu.VMEM((2, GB * BATCH, NHID), jnp.float32),
    pltpu.VMEM((ROWS_PER_TILE, NHID), jnp.float32),
    pltpu.VMEM_SHARED((N_PAD, NHID), jnp.float32),
    pltpu.VMEM_SHARED((N_NODES, NHID), jnp.float32),
]
_SCRATCH_SEMS = [
    pltpu.SemaphoreType.DMA((2,)),
    pltpu.SemaphoreType.DMA((2,)),
]

_aggregate1 = functools.partial(
    pl.kernel,
    mesh=plsc.VectorSubcoreMesh(core_axis_name="c", subcore_axis_name="s"),
    out_type=jax.ShapeDtypeStruct((NC, N_PAD, NHID), jnp.float32),
    scratch_types=_SCRATCH_COMMON + _SCRATCH_SEMS,
    compiler_params=pltpu.CompilerParams(use_tc_tiling_on_sc=False),
)(_agg1_body)

_aggregate2 = functools.partial(
    pl.kernel,
    mesh=plsc.VectorSubcoreMesh(core_axis_name="c", subcore_axis_name="s"),
    out_type=jax.ShapeDtypeStruct((NC, N_PAD, 128), jnp.float32),
    scratch_types=_SCRATCH_COMMON + [
        pltpu.VMEM((SUP_PER_TILE, NHID), jnp.float32),
        pltpu.VMEM((SUP_PER_TILE, NHID), jnp.float32),
        pltpu.VMEM((NHID,), jnp.float32),
    ] + _SCRATCH_SEMS,
    compiler_params=pltpu.CompilerParams(use_tc_tiling_on_sc=False),
)(_agg2_body)


def _mm1_body(x_ref, w_ref, o_ref):
    o_ref[:, :NHID] = jnp.dot(x_ref[...], w_ref[...],
                              preferred_element_type=jnp.float32)


def _head_body(p_ref, w_ref, b_ref, o_ref):
    p = p_ref[0, :N_NODES, :NHID] + p_ref[1, :N_NODES, :NHID]
    z = jnp.dot(p, w_ref[...], preferred_element_type=jnp.float32) + b_ref[...]
    m = jnp.max(z, axis=1, keepdims=True)
    z = z - m
    lse = jnp.log(jnp.sum(jnp.exp(z), axis=1, keepdims=True))
    o_ref[...] = z - lse


def kernel(x, edge_index, W1, b1, W2, b2):
    edges = edge_index.astype(jnp.int32)

    support1 = pl.pallas_call(
        _mm1_body,
        out_shape=jax.ShapeDtypeStruct((N_NODES, 128), jnp.float32),
    )(x, W1)

    part1 = _aggregate1(support1, edges)
    part2 = _aggregate2(part1, edges, b1)

    out = pl.pallas_call(
        _head_body,
        out_shape=jax.ShapeDtypeStruct((N_NODES, NUM_CLASS), jnp.float32),
    )(part2, W2, b2.reshape(1, NUM_CLASS))

    return out

# --- scband reference (transcript-rebuilt; emitter-appended) ---
"""Pipeline reference for scband-gcn-9277129359869 (READ-ONLY COPY).

The authoritative reference and input builder live on the scoring server;
editing this copy changes nothing except your own understanding.
"""

import jax, jax.numpy as jnp
import numpy as np

N_NODES = 10000
N_EDGES = 320000
FEAT_DIM = 128
NHID = 16
NUM_CLASS = 40


def setup_inputs(seed: int = 0) -> dict:
    key = jax.random.key(seed)
    k_x, k_e, k_w1, k_b1, k_w2, k_b2 = jax.random.split(key, 6)
    x = jax.random.normal(k_x, (N_NODES, FEAT_DIM), dtype=jnp.float32)
    edge_index = jax.random.randint(k_e, (2, N_EDGES), 0, N_NODES, dtype=jnp.int64)
    # GraphConvolution parameters (Glorot-style scale)
    W1 = jax.random.normal(k_w1, (FEAT_DIM, NHID), dtype=jnp.float32) * (1.0 / np.sqrt(FEAT_DIM))
    b1 = jnp.zeros((NHID,), dtype=jnp.float32)
    W2 = jax.random.normal(k_w2, (NHID, NUM_CLASS), dtype=jnp.float32) * (1.0 / np.sqrt(NHID))
    b2 = jnp.zeros((NUM_CLASS,), dtype=jnp.float32)
    return {"x": x, "edge_index": edge_index, "W1": W1, "b1": b1, "W2": W2, "b2": b2}


def _graph_conv(h, src, dst, n_nodes, W, b):
    # support = h @ W ; out = spmm(adj, support) + b
    support = h @ W
    agg = jax.ops.segment_sum(support[src], dst, num_segments=n_nodes)
    return agg + b


def reference(x, edge_index, W1, b1, W2, b2):
    src = edge_index[0]
    dst = edge_index[1]
    n = x.shape[0]
    h = jax.nn.relu(_graph_conv(x, src, dst, n, W1, b1))
    # dropout is identity in eval mode (training=False)
    out = _graph_conv(h, src, dst, n, W2, b2)
    return jax.nn.log_softmax(out, axis=1)

if __name__ == "__main__":
    import jax
    _d = setup_inputs()
    print(jax.jit(kernel)(*tuple(_d.values())))

</pallas_src>

<mosaic_0001>
#map = affine_map<(d0, d1) -> (0, 0, 0)>
#map1 = affine_map<(d0, d1) -> (0, 0)>
#map2 = affine_map<(d0, d1) -> (0)>
module attributes {stable_mosaic.version = 14 : i64} {
  func.func @_agg2_body(%arg0: i32, %arg1: i32, %arg2: memref<2x10240x16xf32, #tpu.memory_space<hbm>>, %arg3: memref<2x320000xi32, #tpu.memory_space<hbm>>, %arg4: memref<16xf32, #tpu.memory_space<hbm>>, %arg5: memref<2x10240x128xf32, #tpu.memory_space<hbm>>, %arg6: memref<10000xi32, #tpu.memory_space<vmem>>, %arg7: memref<10000xi32, #tpu.memory_space<vmem>>, %arg8: memref<2x1000x16xf32, #tpu.memory_space<vmem>>, %arg9: memref<640x16xf32, #tpu.memory_space<vmem>>, %arg10: memref<10240x16xf32, #tpu.memory_space<vmem_shared>>, %arg11: memref<10000x16xf32, #tpu.memory_space<vmem_shared>>, %arg12: memref<625x16xf32, #tpu.memory_space<vmem>>, %arg13: memref<625x16xf32, #tpu.memory_space<vmem>>, %arg14: memref<16xf32, #tpu.memory_space<vmem>>, %arg15: memref<2x!tpu.dma_semaphore, #tpu.memory_space<semaphore_mem>>, %arg16: memref<2x!tpu.dma_semaphore, #tpu.memory_space<semaphore_mem>>) attributes {dimension_semantics = [#tpu.dimension_semantics<core_parallel>, #tpu.dimension_semantics<subcore_parallel>], iteration_bounds = array<i64: 2, 16>, scalar_prefetch = 0 : i64, scratch_operands = 11 : i64, tpu.core_type = #tpu.core_type<sc_vector_subcore>, window_params = [{transform_indices = #map}, {transform_indices = #map1}, {transform_indices = #map2}, {transform_indices = #map}]} {
    %mul3A = arith.constant 16 : i32
    %mul3A_0 = arith.muli %arg0, %mul3A : i32
    %add3A = arith.addi %mul3A_0, %arg1 : i32
    %mul3A_1 = arith.constant 10000 : i32
    %mul3A_2 = arith.muli %add3A, %mul3A_1 : i32
    %run_scoped3A = arith.constant 0 : i32
    "tpu.region"() ({
      %run_scoped3A_65 = tpu.sem_alloc : memref<!tpu.dma_semaphore, #tpu.memory_space<semaphore_mem>>
      %dma_start3A_66 = tpu.memref_slice %arg3[%run_scoped3A, %mul3A_2] : memref<2x320000xi32, #tpu.memory_space<hbm>> -> memref<1x10000xi32, #tpu.memory_space<hbm>>
      %dma_start3A_67 = tpu.memref_squeeze %dma_start3A_66 : memref<1x10000xi32, #tpu.memory_space<hbm>> -> memref<10000xi32, #tpu.memory_space<hbm>>
      %dma_start3A_68 = tpu.memref_slice %arg3[%run_scoped3A, %mul3A_2] : memref<2x320000xi32, #tpu.memory_space<hbm>> -> memref<1x10000xi32, #tpu.memory_space<hbm>>
      %dma_start3A_69 = tpu.memref_squeeze %dma_start3A_68 : memref<1x10000xi32, #tpu.memory_space<hbm>> -> memref<10000xi32, #tpu.memory_space<hbm>>
      tpu.enqueue_dma source(%dma_start3A_69 : memref<10000xi32, #tpu.memory_space<hbm>>) target(%arg6 : memref<10000xi32, #tpu.memory_space<vmem>>) target_semaphore(%run_scoped3A_65 : memref<!tpu.dma_semaphore, #tpu.memory_space<semaphore_mem>>)
      %dma_wait3A_70 = tpu.memref_slice %arg3[%run_scoped3A, %mul3A_2] : memref<2x320000xi32, #tpu.memory_space<hbm>> -> memref<1x10000xi32, #tpu.memory_space<hbm>>
      %dma_wait3A_71 = tpu.memref_squeeze %dma_wait3A_70 : memref<1x10000xi32, #tpu.memory_space<hbm>> -> memref<10000xi32, #tpu.memory_space<hbm>>
      %dma_wait3A_72 = tpu.memref_slice %arg3[%run_scoped3A, %mul3A_2] : memref<2x320000xi32, #tpu.memory_space<hbm>> -> memref<1x10000xi32, #tpu.memory_space<hbm>>
      %dma_wait3A_73 = tpu.memref_squeeze %dma_wait3A_72 : memref<1x10000xi32, #tpu.memory_space<hbm>> -> memref<10000xi32, #tpu.memory_space<hbm>>
      tpu.wait_dma2 semaphore(%run_scoped3A_65 : memref<!tpu.dma_semaphore, #tpu.memory_space<semaphore_mem>>) src(%dma_wait3A_73 : memref<10000xi32, #tpu.memory_space<hbm>>) dst(%arg6 : memref<10000xi32, #tpu.memory_space<vmem>>)
      tpu.yield
    }) : () -> ()
    %mul3A_3 = arith.constant 10000 : i32
    %mul3A_4 = arith.muli %add3A, %mul3A_3 : i32
    %run_scoped3A_5 = arith.constant 1 : i32
    "tpu.region"() ({
      %run_scoped3A_65 = tpu.sem_alloc : memref<!tpu.dma_semaphore, #tpu.memory_space<semaphore_mem>>
      %dma_start3A_66 = tpu.memref_slice %arg3[%run_scoped3A_5, %mul3A_4] : memref<2x320000xi32, #tpu.memory_space<hbm>> -> memref<1x10000xi32, #tpu.memory_space<hbm>>
      %dma_start3A_67 = tpu.memref_squeeze %dma_start3A_66 : memref<1x10000xi32, #tpu.memory_space<hbm>> -> memref<10000xi32, #tpu.memory_space<hbm>>
      %dma_start3A_68 = tpu.memref_slice %arg3[%run_scoped3A_5, %mul3A_4] : memref<2x320000xi32, #tpu.memory_space<hbm>> -> memref<1x10000xi32, #tpu.memory_space<hbm>>
      %dma_start3A_69 = tpu.memref_squeeze %dma_start3A_68 : memref<1x10000xi32, #tpu.memory_space<hbm>> -> memref<10000xi32, #tpu.memory_space<hbm>>
      tpu.enqueue_dma source(%dma_start3A_69 : memref<10000xi32, #tpu.memory_space<hbm>>) target(%arg7 : memref<10000xi32, #tpu.memory_space<vmem>>) target_semaphore(%run_scoped3A_65 : memref<!tpu.dma_semaphore, #tpu.memory_space<semaphore_mem>>)
      %dma_wait3A_70 = tpu.memref_slice %arg3[%run_scoped3A_5, %mul3A_4] : memref<2x320000xi32, #tpu.memory_space<hbm>> -> memref<1x10000xi32, #tpu.memory_space<hbm>>
      %dma_wait3A_71 = tpu.memref_squeeze %dma_wait3A_70 : memref<1x10000xi32, #tpu.memory_space<hbm>> -> memref<10000xi32, #tpu.memory_space<hbm>>
      %dma_wait3A_72 = tpu.memref_slice %arg3[%run_scoped3A_5, %mul3A_4] : memref<2x320000xi32, #tpu.memory_space<hbm>> -> memref<1x10000xi32, #tpu.memory_space<hbm>>
      %dma_wait3A_73 = tpu.memref_squeeze %dma_wait3A_72 : memref<1x10000xi32, #tpu.memory_space<hbm>> -> memref<10000xi32, #tpu.memory_space<hbm>>
      tpu.wait_dma2 semaphore(%run_scoped3A_65 : memref<!tpu.dma_semaphore, #tpu.memory_space<semaphore_mem>>) src(%dma_wait3A_73 : memref<10000xi32, #tpu.memory_space<hbm>>) dst(%arg7 : memref<10000xi32, #tpu.memory_space<vmem>>)
      tpu.yield
    }) : () -> ()
    %broadcast_in_dim3A = arith.constant 0.000000e+00 : f32
    %broadcast_in_dim3A_6 = vector.broadcast %broadcast_in_dim3A : f32 to vector<16xf32>
    %scan3A = arith.constant 0 : i32
    %scan3A_7 = arith.constant 0 : i32
    %scan3A_8 = arith.constant 40 : i32
    %scan3A_9 = arith.addi %scan3A_7, %scan3A_8 : i32
    %scan3A_10 = arith.constant 1 : i32
    scf.for %scan3A_65 = %scan3A_7 to %scan3A_9 step %scan3A_10  : i32 {
      %mul3A_66 = arith.constant 16 : i32
      %mul3A_67 = arith.muli %scan3A_65, %mul3A_66 : i32
      %add3A_68 = arith.constant 0 : i32
      %add3A_69 = arith.addi %mul3A_67, %add3A_68 : i32
      %swap3A = arith.index_cast %add3A_69 : i32 to index
      %swap3A_70 = arith.constant 0 : index
      %swap3A_71 = tpu.vector_load %arg9[%swap3A, %swap3A_70] {strides = array<i32>} : memref<640x16xf32, #tpu.memory_space<vmem>>, vector<1x16xf32>,
      %swap3A_72 = vector.shape_cast %swap3A_71 : vector<1x16xf32> to vector<16xf32>
      %swap3A_73 = vector.shape_cast %broadcast_in_dim3A_6 : vector<16xf32> to vector<1x16xf32>
      tpu.vector_store %arg9[%swap3A, %swap3A_70], %swap3A_73 {strides = array<i32>} : memref<640x16xf32, #tpu.memory_space<vmem>>, vector<1x16xf32>,
      %mul3A_74 = arith.constant 16 : i32
      %mul3A_75 = arith.muli %scan3A_65, %mul3A_74 : i32
      %add3A_76 = arith.constant 1 : i32
      %add3A_77 = arith.addi %mul3A_75, %add3A_76 : i32
      %swap3A_78 = arith.index_cast %add3A_77 : i32 to index
      %swap3A_79 = arith.constant 0 : index
      %swap3A_80 = tpu.vector_load %arg9[%swap3A_78, %swap3A_79] {strides = array<i32>} : memref<640x16xf32, #tpu.memory_space<vmem>>, vector<1x16xf32>,
      %swap3A_81 = vector.shape_cast %swap3A_80 : vector<1x16xf32> to vector<16xf32>
      %swap3A_82 = vector.shape_cast %broadcast_in_dim3A_6 : vector<16xf32> to vector<1x16xf32>
      tpu.vector_store %arg9[%swap3A_78, %swap3A_79], %swap3A_82 {strides = array<i32>} : memref<640x16xf32, #tpu.memory_space<vmem>>, vector<1x16xf32>,
      %mul3A_83 = arith.constant 16 : i32
      %mul3A_84 = arith.muli %scan3A_65, %mul3A_83 : i32
      %add3A_85 = arith.constant 2 : i32
      %add3A_86 = arith.addi %mul3A_84, %add3A_85 : i32
      %swap3A_87 = arith.index_cast %add3A_86 : i32 to index
      %swap3A_88 = arith.constant 0 : index
      %swap3A_89 = tpu.vector_load %arg9[%swap3A_87, %swap3A_88] {strides = array<i32>} : memref<640x16xf32, #tpu.memory_space<vmem>>, vector<1x16xf32>,
      %swap3A_90 = vector.shape_cast %swap3A_89 : vector<1x16xf32> to vector<16xf32>
      %swap3A_91 = vector.shape_cast %broadcast_in_dim3A_6 : vector<16xf32> to vector<1x16xf32>
      tpu.vector_store %arg9[%swap3A_87, %swap3A_88], %swap3A_91 {strides = array<i32>} : memref<640x16xf32, #tpu.memory_space<vmem>>, vector<1x16xf32>,
      %mul3A_92 = arith.constant 16 : i32
      %mul3A_93 = arith.muli %scan3A_65, %mul3A_92 : i32
      %add3A_94 = arith.constant 3 : i32
      %add3A_95 = arith.addi %mul3A_93, %add3A_94 : i32
      %swap3A_96 = arith.index_cast %add3A_95 : i32 to index
      %swap3A_97 = arith.constant 0 : index
      %swap3A_98 = tpu.vector_load %arg9[%swap3A_96, %swap3A_97] {strides = array<i32>} : memref<640x16xf32, #tpu.memory_space<vmem>>, vector<1x16xf32>,
      %swap3A_99 = vector.shape_cast %swap3A_98 : vector<1x16xf32> to vector<16xf32>
      %swap3A_100 = vector.shape_cast %broadcast_in_dim3A_6 : vector<16xf32> to vector<1x16xf32>
      tpu.vector_store %arg9[%swap3A_96, %swap3A_97], %swap3A_100 {strides = array<i32>} : memref<640x16xf32, #tpu.memory_space<vmem>>, vector<1x16xf32>,
      %mul3A_101 = arith.constant 16 : i32
      %mul3A_102 = arith.muli %scan3A_65, %mul3A_101 : i32
      %add3A_103 = arith.constant 4 : i32
      %add3A_104 = arith.addi %mul3A_102, %add3A_103 : i32
      %swap3A_105 = arith.index_cast %add3A_104 : i32 to index
      %swap3A_106 = arith.constant 0 : index
      %swap3A_107 = tpu.vector_load %arg9[%swap3A_105, %swap3A_106] {strides = array<i32>} : memref<640x16xf32, #tpu.memory_space<vmem>>, vector<1x16xf32>,
      %swap3A_108 = vector.shape_cast %swap3A_107 : vector<1x16xf32> to vector<16xf32>
      %swap3A_109 = vector.shape_cast %broadcast_in_dim3A_6 : vector<16xf32> to vector<1x16xf32>
      tpu.vector_store %arg9[%swap3A_105, %swap3A_106], %swap3A_109 {strides = array<i32>} : memref<640x16xf32, #tpu.memory_space<vmem>>, vector<1x16xf32>,
      %mul3A_110 = arith.constant 16 : i32
      %mul3A_111 = arith.muli %scan3A_65, %mul3A_110 : i32
      %add3A_112 = arith.constant 5 : i32
      %add3A_113 = arith.addi %mul3A_111, %add3A_112 : i32
      %swap3A_114 = arith.index_cast %add3A_113 : i32 to index
      %swap3A_115 = arith.constant 0 : index
      %swap3A_116 = tpu.vector_load %arg9[%swap3A_114, %swap3A_115] {strides = array<i32>} : memref<640x16xf32, #tpu.memory_space<vmem>>, vector<1x16xf32>,
      %swap3A_117 = vector.shape_cast %swap3A_116 : vector<1x16xf32> to vector<16xf32>
      %swap3A_118 = vector.shape_cast %broadcast_in_dim3A_6 : vector<16xf32> to vector<1x16xf32>
      tpu.vector_store %arg9[%swap3A_114, %swap3A_115], %swap3A_118 {strides = array<i32>} : memref<640x16xf32, #tpu.memory_space<vmem>>, vector<1x16xf32>,
      %mul3A_119 = arith.constant 16 : i32
      %mul3A_120 = arith.muli %scan3A_65, %mul3A_119 : i32
      %add3A_121 = arith.constant 6 : i32
      %add3A_122 = arith.addi %mul3A_120, %add3A_121 : i32
      %swap3A_123 = arith.index_cast %add3A_122 : i32 to index
      %swap3A_124 = arith.constant 0 : index
      %swap3A_125 = tpu.vector_load %arg9[%swap3A_123, %swap3A_124] {strides = array<i32>} : memref<640x16xf32, #tpu.memory_space<vmem>>, vector<1x16xf32>,
      %swap3A_126 = vector.shape_cast %swap3A_125 : vector<1x16xf32> to vector<16xf32>
      %swap3A_127 = vector.shape_cast %broadcast_in_dim3A_6 : vector<16xf32> to vector<1x16xf32>
      tpu.vector_store %arg9[%swap3A_123, %swap3A_124], %swap3A_127 {strides = array<i32>} : memref<640x16xf32, #tpu.memory_space<vmem>>, vector<1x16xf32>,
      %mul3A_128 = arith.constant 16 : i32
      %mul3A_129 = arith.muli %scan3A_65, %mul3A_128 : i32
      %add3A_130 = arith.constant 7 : i32
      %add3A_131 = arith.addi %mul3A_129, %add3A_130 : i32
      %swap3A_132 = arith.index_cast %add3A_131 : i32 to index
      %swap3A_133 = arith.constant 0 : index
      %swap3A_134 = tpu.vector_load %arg9[%swap3A_132, %swap3A_133] {strides = array<i32>} : memref<640x16xf32, #tpu.memory_space<vmem>>, vector<1x16xf32>,
      %swap3A_135 = vector.shape_cast %swap3A_134 : vector<1x16xf32> to vector<16xf32>
      %swap3A_136 = vector.shape_cast %broadcast_in_dim3A_6 : vector<16xf32> to vector<1x16xf32>
      tpu.vector_store %arg9[%swap3A_132, %swap3A_133], %swap3A_136 {strides = array<i32>} : memref<640x16xf32, #tpu.memory_space<vmem>>, vector<1x16xf32>,
      %mul3A_137 = arith.constant 16 : i32
      %mul3A_138 = arith.muli %scan3A_65, %mul3A_137 : i32
      %add3A_139 = arith.constant 8 : i32
      %add3A_140 = arith.addi %mul3A_138, %add3A_139 : i32
      %swap3A_141 = arith.index_cast %add3A_140 : i32 to index
      %swap3A_142 = arith.constant 0 : index
      %swap3A_143 = tpu.vector_load %arg9[%swap3A_141, %swap3A_142] {strides = array<i32>} : memref<640x16xf32, #tpu.memory_space<vmem>>, vector<1x16xf32>,
      %swap3A_144 = vector.shape_cast %swap3A_143 : vector<1x16xf32> to vector<16xf32>
      %swap3A_145 = vector.shape_cast %broadcast_in_dim3A_6 : vector<16xf32> to vector<1x16xf32>
      tpu.vector_store %arg9[%swap3A_141, %swap3A_142], %swap3A_145 {strides = array<i32>} : memref<640x16xf32, #tpu.memory_space<vmem>>, vector<1x16xf32>,
      %mul3A_146 = arith.constant 16 : i32
      %mul3A_147 = arith.muli %scan3A_65, %mul3A_146 : i32
      %add3A_148 = arith.constant 9 : i32
      %add3A_149 = arith.addi %mul3A_147, %add3A_148 : i32
      %swap3A_150 = arith.index_cast %add3A_149 : i32 to index
      %swap3A_151 = arith.constant 0 : index
      %swap3A_152 = tpu.vector_load %arg9[%swap3A_150, %swap3A_151] {strides = array<i32>} : memref<640x16xf32, #tpu.memory_space<vmem>>, vector<1x16xf32>,
      %swap3A_153 = vector.shape_cast %swap3A_152 : vector<1x16xf32> to vector<16xf32>
      %swap3A_154 = vector.shape_cast %broadcast_in_dim3A_6 : vector<16xf32> to vector<1x16xf32>
      tpu.vector_store %arg9[%swap3A_150, %swap3A_151], %swap3A_154 {strides = array<i32>} : memref<640x16xf32, #tpu.memory_space<vmem>>, vector<1x16xf32>,
      %mul3A_155 = arith.constant 16 : i32
      %mul3A_156 = arith.muli %scan3A_65, %mul3A_155 : i32
      %add3A_157 = arith.constant 10 : i32
      %add3A_158 = arith.addi %mul3A_156, %add3A_157 : i32
      %swap3A_159 = arith.index_cast %add3A_158 : i32 to index
      %swap3A_160 = arith.constant 0 : index
      %swap3A_161 = tpu.vector_load %arg9[%swap3A_159, %swap3A_160] {strides = array<i32>} : memref<640x16xf32, #tpu.memory_space<vmem>>, vector<1x16xf32>,
      %swap3A_162 = vector.shape_cast %swap3A_161 : vector<1x16xf32> to vector<16xf32>
      %swap3A_163 = vector.shape_cast %broadcast_in_dim3A_6 : vector<16xf32> to vector<1x16xf32>
      tpu.vector_store %arg9[%swap3A_159, %swap3A_160], %swap3A_163 {strides = array<i32>} : memref<640x16xf32, #tpu.memory_space<vmem>>, vector<1x16xf32>,
      %mul3A_164 = arith.constant 16 : i32
      %mul3A_165 = arith.muli %scan3A_65, %mul3A_164 : i32
      %add3A_166 = arith.constant 11 : i32
      %add3A_167 = arith.addi %mul3A_165, %add3A_166 : i32
      %swap3A_168 = arith.index_cast %add3A_167 : i32 to index
      %swap3A_169 = arith.constant 0 : index
      %swap3A_170 = tpu.vector_load %arg9[%swap3A_168, %swap3A_169] {strides = array<i32>} : memref<640x16xf32, #tpu.memory_space<vmem>>, vector<1x16xf32>,
      %swap3A_171 = vector.shape_cast %swap3A_170 : vector<1x16xf32> to vector<16xf32>
      %swap3A_172 = vector.shape_cast %broadcast_in_dim3A_6 : vector<16xf32> to vector<1x16xf32>
      tpu.vector_store %arg9[%swap3A_168, %swap3A_169], %swap3A_172 {strides = array<i32>} : memref<640x16xf32, #tpu.memory_space<vmem>>, vector<1x16xf32>,
      %mul3A_173 = arith.constant 16 : i32
      %mul3A_174 = arith.muli %scan3A_65, %mul3A_173 : i32
      %add3A_175 = arith.constant 12 : i32
      %add3A_176 = arith.addi %mul3A_174, %add3A_175 : i32
      %swap3A_177 = arith.index_cast %add3A_176 : i32 to index
      %swap3A_178 = arith.constant 0 : index
      %swap3A_179 = tpu.vector_load %arg9[%swap3A_177, %swap3A_178] {strides = array<i32>} : memref<640x16xf32, #tpu.memory_space<vmem>>, vector<1x16xf32>,
      %swap3A_180 = vector.shape_cast %swap3A_179 : vector<1x16xf32> to vector<16xf32>
      %swap3A_181 = vector.shape_cast %broadcast_in_dim3A_6 : vector<16xf32> to vector<1x16xf32>
      tpu.vector_store %arg9[%swap3A_177, %swap3A_178], %swap3A_181 {strides = array<i32>} : memref<640x16xf32, #tpu.memory_space<vmem>>, vector<1x16xf32>,
      %mul3A_182 = arith.constant 16 : i32
      %mul3A_183 = arith.muli %scan3A_65, %mul3A_182 : i32
      %add3A_184 = arith.constant 13 : i32
      %add3A_185 = arith.addi %mul3A_183, %add3A_184 : i32
      %swap3A_186 = arith.index_cast %add3A_185 : i32 to index
      %swap3A_187 = arith.constant 0 : index
      %swap3A_188 = tpu.vector_load %arg9[%swap3A_186, %swap3A_187] {strides = array<i32>} : memref<640x16xf32, #tpu.memory_space<vmem>>, vector<1x16xf32>,
      %swap3A_189 = vector.shape_cast %swap3A_188 : vector<1x16xf32> to vector<16xf32>
      %swap3A_190 = vector.shape_cast %broadcast_in_dim3A_6 : vector<16xf32> to vector<1x16xf32>
      tpu.vector_store %arg9[%swap3A_186, %swap3A_187], %swap3A_190 {strides = array<i32>} : memref<640x16xf32, #tpu.memory_space<vmem>>, vector<1x16xf32>,
      %mul3A_191 = arith.constant 16 : i32
      %mul3A_192 = arith.muli %scan3A_65, %mul3A_191 : i32
      %add3A_193 = arith.constant 14 : i32
      %add3A_194 = arith.addi %mul3A_192, %add3A_193 : i32
      %swap3A_195 = arith.index_cast %add3A_194 : i32 to index
      %swap3A_196 = arith.constant 0 : index
      %swap3A_197 = tpu.vector_load %arg9[%swap3A_195, %swap3A_196] {strides = array<i32>} : memref<640x16xf32, #tpu.memory_space<vmem>>, vector<1x16xf32>,
      %swap3A_198 = vector.shape_cast %swap3A_197 : vector<1x16xf32> to vector<16xf32>
      %swap3A_199 = vector.shape_cast %broadcast_in_dim3A_6 : vector<16xf32> to vector<1x16xf32>
      tpu.vector_store %arg9[%swap3A_195, %swap3A_196], %swap3A_199 {strides = array<i32>} : memref<640x16xf32, #tpu.memory_space<vmem>>, vector<1x16xf32>,
      %mul3A_200 = arith.constant 16 : i32
      %mul3A_201 = arith.muli %scan3A_65, %mul3A_200 : i32
      %add3A_202 = arith.constant 15 : i32
      %add3A_203 = arith.addi %mul3A_201, %add3A_202 : i32
      %swap3A_204 = arith.index_cast %add3A_203 : i32 to index
      %swap3A_205 = arith.constant 0 : index
      %swap3A_206 = tpu.vector_load %arg9[%swap3A_204, %swap3A_205] {strides = array<i32>} : memref<640x16xf32, #tpu.memory_space<vmem>>, vector<1x16xf32>,
      %swap3A_207 = vector.shape_cast %swap3A_206 : vector<1x16xf32> to vector<16xf32>
      %swap3A_208 = vector.shape_cast %broadcast_in_dim3A_6 : vector<16xf32> to vector<1x16xf32>
      tpu.vector_store %arg9[%swap3A_204, %swap3A_205], %swap3A_208 {strides = array<i32>} : memref<640x16xf32, #tpu.memory_space<vmem>>, vector<1x16xf32>,
    }
    %scan3A_11 = arith.constant 40 : i32
    %mul3A_12 = arith.constant 640 : i32
    %mul3A_13 = arith.muli %arg1, %mul3A_12 : i32
    "tpu.region"() ({
      %run_scoped3A_65 = tpu.sem_alloc : memref<!tpu.dma_semaphore, #tpu.memory_space<semaphore_mem>>
      %dma_start3A_66 = arith.constant 0 : i32
      %dma_start3A_67 = tpu.memref_slice %arg10[%mul3A_13, %dma_start3A_66] : memref<10240x16xf32, #tpu.memory_space<vmem_shared>> -> memref<640x16xf32, #tpu.memory_space<vmem_shared>>
      %dma_start3A_68 = arith.constant 0 : i32
      %dma_start3A_69 = tpu.memref_slice %arg10[%mul3A_13, %dma_start3A_68] : memref<10240x16xf32, #tpu.memory_space<vmem_shared>> -> memref<640x16xf32, #tpu.memory_space<vmem_shared>>
      tpu.enqueue_dma source(%arg9 : memref<640x16xf32, #tpu.memory_space<vmem>>) target(%dma_start3A_69 : memref<640x16xf32, #tpu.memory_space<vmem_shared>>) target_semaphore(%run_scoped3A_65 : memref<!tpu.dma_semaphore, #tpu.memory_space<semaphore_mem>>)
      %dma_wait3A_70 = arith.constant 0 : i32
      %dma_wait3A_71 = tpu.memref_slice %arg10[%mul3A_13, %dma_wait3A_70] : memref<10240x16xf32, #tpu.memory_space<vmem_shared>> -> memref<640x16xf32, #tpu.memory_space<vmem_shared>>
      %dma_wait3A_72 = arith.constant 0 : i32
      %dma_wait3A_73 = tpu.memref_slice %arg10[%mul3A_13, %dma_wait3A_72] : memref<10240x16xf32, #tpu.memory_space<vmem_shared>> -> memref<640x16xf32, #tpu.memory_space<vmem_shared>>
      tpu.wait_dma2 semaphore(%run_scoped3A_65 : memref<!tpu.dma_semaphore, #tpu.memory_space<semaphore_mem>>) src(%arg9 : memref<640x16xf32, #tpu.memory_space<vmem>>) dst(%dma_wait3A_73 : memref<640x16xf32, #tpu.memory_space<vmem_shared>>)
      tpu.yield
    }) : () -> ()
    %mul3A_14 = arith.constant 625 : i32
    %mul3A_15 = arith.muli %arg1, %mul3A_14 : i32
    %run_scoped3A_16 = arith.constant 0 : i32
    "tpu.region"() ({
      %run_scoped3A_65 = tpu.sem_alloc : memref<!tpu.dma_semaphore, #tpu.memory_space<semaphore_mem>>
      %dma_start3A_66 = arith.constant 0 : i32
      %dma_start3A_67 = tpu.memref_slice %arg2[%run_scoped3A_16, %mul3A_15, %dma_start3A_66] : memref<2x10240x16xf32, #tpu.memory_space<hbm>> -> memref<1x625x16xf32, #tpu.memory_space<hbm>>
      %dma_start3A_68 = tpu.memref_squeeze %dma_start3A_67 : memref<1x625x16xf32, #tpu.memory_space<hbm>> -> memref<625x16xf32, #tpu.memory_space<hbm>>
      %dma_start3A_69 = arith.constant 0 : i32
      %dma_start3A_70 = tpu.memref_slice %arg2[%run_scoped3A_16, %mul3A_15, %dma_start3A_69] : memref<2x10240x16xf32, #tpu.memory_space<hbm>> -> memref<1x625x16xf32, #tpu.memory_space<hbm>>
      %dma_start3A_71 = tpu.memref_squeeze %dma_start3A_70 : memref<1x625x16xf32, #tpu.memory_space<hbm>> -> memref<625x16xf32, #tpu.memory_space<hbm>>
      tpu.enqueue_dma source(%dma_start3A_71 : memref<625x16xf32, #tpu.memory_space<hbm>>) target(%arg12 : memref<625x16xf32, #tpu.memory_space<vmem>>) target_semaphore(%run_scoped3A_65 : memref<!tpu.dma_semaphore, #tpu.memory_space<semaphore_mem>>)
      %dma_wait3A_72 = arith.constant 0 : i32
      %dma_wait3A_73 = tpu.memref_slice %arg2[%run_scoped3A_16, %mul3A_15, %dma_wait3A_72] : memref<2x10240x16xf32, #tpu.memory_space<hbm>> -> memref<1x625x16xf32, #tpu.memory_space<hbm>>
      %dma_wait3A_74 = tpu.memref_squeeze %dma_wait3A_73 : memref<1x625x16xf32, #tpu.memory_space<hbm>> -> memref<625x16xf32, #tpu.memory_space<hbm>>
      %dma_wait3A_75 = arith.constant 0 : i32
      %dma_wait3A_76 = tpu.memref_slice %arg2[%run_scoped3A_16, %mul3A_15, %dma_wait3A_75] : memref<2x10240x16xf32, #tpu.memory_space<hbm>> -> memref<1x625x16xf32, #tpu.memory_space<hbm>>
      %dma_wait3A_77 = tpu.memref_squeeze %dma_wait3A_76 : memref<1x625x16xf32, #tpu.memory_space<hbm>> -> memref<625x16xf32, #tpu.memory_space<hbm>>
      tpu.wait_dma2 semaphore(%run_scoped3A_65 : memref<!tpu.dma_semaphore, #tpu.memory_space<semaphore_mem>>) src(%dma_wait3A_77 : memref<625x16xf32, #tpu.memory_space<hbm>>) dst(%arg12 : memref<625x16xf32, #tpu.memory_space<vmem>>)
      tpu.yield
    }) : () -> ()
    %mul3A_17 = arith.constant 625 : i32
    %mul3A_18 = arith.muli %arg1, %mul3A_17 : i32
    %run_scoped3A_19 = arith.constant 1 : i32
    "tpu.region"() ({
      %run_scoped3A_65 = tpu.sem_alloc : memref<!tpu.dma_semaphore, #tpu.memory_space<semaphore_mem>>
      %dma_start3A_66 = arith.constant 0 : i32
      %dma_start3A_67 = tpu.memref_slice %arg2[%run_scoped3A_19, %mul3A_18, %dma_start3A_66] : memref<2x10240x16xf32, #tpu.memory_space<hbm>> -> memref<1x625x16xf32, #tpu.memory_space<hbm>>
      %dma_start3A_68 = tpu.memref_squeeze %dma_start3A_67 : memref<1x625x16xf32, #tpu.memory_space<hbm>> -> memref<625x16xf32, #tpu.memory_space<hbm>>
      %dma_start3A_69 = arith.constant 0 : i32
      %dma_start3A_70 = tpu.memref_slice %arg2[%run_scoped3A_19, %mul3A_18, %dma_start3A_69] : memref<2x10240x16xf32, #tpu.memory_space<hbm>> -> memref<1x625x16xf32, #tpu.memory_space<hbm>>
      %dma_start3A_71 = tpu.memref_squeeze %dma_start3A_70 : memref<1x625x16xf32, #tpu.memory_space<hbm>> -> memref<625x16xf32, #tpu.memory_space<hbm>>
      tpu.enqueue_dma source(%dma_start3A_71 : memref<625x16xf32, #tpu.memory_space<hbm>>) target(%arg13 : memref<625x16xf32, #tpu.memory_space<vmem>>) target_semaphore(%run_scoped3A_65 : memref<!tpu.dma_semaphore, #tpu.memory_space<semaphore_mem>>)
      %dma_wait3A_72 = arith.constant 0 : i32
      %dma_wait3A_73 = tpu.memref_slice %arg2[%run_scoped3A_19, %mul3A_18, %dma_wait3A_72] : memref<2x10240x16xf32, #tpu.memory_space<hbm>> -> memref<1x625x16xf32, #tpu.memory_space<hbm>>
      %dma_wait3A_74 = tpu.memref_squeeze %dma_wait3A_73 : memref<1x625x16xf32, #tpu.memory_space<hbm>> -> memref<625x16xf32, #tpu.memory_space<hbm>>
      %dma_wait3A_75 = arith.constant 0 : i32
      %dma_wait3A_76 = tpu.memref_slice %arg2[%run_scoped3A_19, %mul3A_18, %dma_wait3A_75] : memref<2x10240x16xf32, #tpu.memory_space<hbm>> -> memref<1x625x16xf32, #tpu.memory_space<hbm>>
      %dma_wait3A_77 = tpu.memref_squeeze %dma_wait3A_76 : memref<1x625x16xf32, #tpu.memory_space<hbm>> -> memref<625x16xf32, #tpu.memory_space<hbm>>
      tpu.wait_dma2 semaphore(%run_scoped3A_65 : memref<!tpu.dma_semaphore, #tpu.memory_space<semaphore_mem>>) src(%dma_wait3A_77 : memref<625x16xf32, #tpu.memory_space<hbm>>) dst(%arg13 : memref<625x16xf32, #tpu.memory_space<vmem>>)
      tpu.yield
    }) : () -> ()
    "tpu.region"() ({
      %run_scoped3A_65 = tpu.sem_alloc : memref<!tpu.dma_semaphore, #tpu.memory_space<semaphore_mem>>
      tpu.enqueue_dma source(%arg4 : memref<16xf32, #tpu.memory_space<hbm>>) target(%arg14 : memref<16xf32, #tpu.memory_space<vmem>>) target_semaphore(%run_scoped3A_65 : memref<!tpu.dma_semaphore, #tpu.memory_space<semaphore_mem>>)
      tpu.wait_dma2 semaphore(%run_scoped3A_65 : memref<!tpu.dma_semaphore, #tpu.memory_space<semaphore_mem>>) src(%arg4 : memref<16xf32, #tpu.memory_space<hbm>>) dst(%arg14 : memref<16xf32, #tpu.memory_space<vmem>>)
      tpu.yield
    }) : () -> ()
    %get3A = arith.constant 0 : index
    %get3A_20 = tpu.vector_load %arg14[%get3A] {strides = array<i32>} : memref<16xf32, #tpu.memory_space<vmem>>, vector<16xf32>,
    %get3A_21 = vector.shape_cast %get3A_20 : vector<16xf32> to vector<16xf32>
    %scan3A_22 = arith.constant 0 : i32
    %scan3A_23 = arith.constant 0 : i32
    %scan3A_24 = arith.constant 25 : i32
    %scan3A_25 = arith.addi %scan3A_23, %scan3A_24 : i32
    %scan3A_26 = arith.constant 1 : i32
    scf.for %scan3A_65 = %scan3A_23 to %scan3A_25 step %scan3A_26  : i32 {
      %mul3A_66 = arith.constant 25 : i32
      %mul3A_67 = arith.muli %scan3A_65, %mul3A_66 : i32
      %add3A_68 = arith.constant 0 : i32
      %add3A_69 = arith.addi %mul3A_67, %add3A_68 : i32
      %get3A_70 = arith.index_cast %add3A_69 : i32 to index
      %get3A_71 = arith.constant 0 : index
      %get3A_72 = tpu.vector_load %arg12[%get3A_70, %get3A_71] {strides = array<i32>} : memref<625x16xf32, #tpu.memory_space<vmem>>, vector<1x16xf32>,
      %get3A_73 = vector.shape_cast %get3A_72 : vector<1x16xf32> to vector<16xf32>
      %get3A_74 = arith.index_cast %add3A_69 : i32 to index
      %get3A_75 = arith.constant 0 : index
      %get3A_76 = tpu.vector_load %arg13[%get3A_74, %get3A_75] {strides = array<i32>} : memref<625x16xf32, #tpu.memory_space<vmem>>, vector<1x16xf32>,
      %get3A_77 = vector.shape_cast %get3A_76 : vector<1x16xf32> to vector<16xf32>
      %add3A_78 = arith.addf %get3A_73, %get3A_77 : vector<16xf32>
      %add3A_79 = arith.addf %add3A_78, %get3A_21 : vector<16xf32>
      %max3A = arith.constant 0.000000e+00 : f32
      %max3A_80 = vector.broadcast %max3A : f32 to vector<16xf32>
      %max3A_81 = arith.maximumf %add3A_79, %max3A_80 : vector<16xf32>
      %swap3A = arith.index_cast %add3A_69 : i32 to index
      %swap3A_82 = arith.constant 0 : index
      %swap3A_83 = tpu.vector_load %arg12[%swap3A, %swap3A_82] {strides = array<i32>} : memref<625x16xf32, #tpu.memory_space<vmem>>, vector<1x16xf32>,
      %swap3A_84 = vector.shape_cast %swap3A_83 : vector<1x16xf32> to vector<16xf32>
      %swap3A_85 = vector.shape_cast %max3A_81 : vector<16xf32> to vector<1x16xf32>
      tpu.vector_store %arg12[%swap3A, %swap3A_82], %swap3A_85 {strides = array<i32>} : memref<625x16xf32, #tpu.memory_space<vmem>>, vector<1x16xf32>,
      %mul3A_86 = arith.constant 25 : i32
      %mul3A_87 = arith.muli %scan3A_65, %mul3A_86 : i32
      %add3A_88 = arith.constant 1 : i32
      %add3A_89 = arith.addi %mul3A_87, %add3A_88 : i32
      %get3A_90 = arith.index_cast %add3A_89 : i32 to index
      %get3A_91 = arith.constant 0 : index
      %get3A_92 = tpu.vector_load %arg12[%get3A_90, %get3A_91] {strides = array<i32>} : memref<625x16xf32, #tpu.memory_space<vmem>>, vector<1x16xf32>,
      %get3A_93 = vector.shape_cast %get3A_92 : vector<1x16xf32> to vector<16xf32>
      %get3A_94 = arith.index_cast %add3A_89 : i32 to index
      %get3A_95 = arith.constant 0 : index
      %get3A_96 = tpu.vector_load %arg13[%get3A_94, %get3A_95] {strides = array<i32>} : memref<625x16xf32, #tpu.memory_space<vmem>>, vector<1x16xf32>,
      %get3A_97 = vector.shape_cast %get3A_96 : vector<1x16xf32> to vector<16xf32>
      %add3A_98 = arith.addf %get3A_93, %get3A_97 : vector<16xf32>
      %add3A_99 = arith.addf %add3A_98, %get3A_21 : vector<16xf32>
      %max3A_100 = arith.constant 0.000000e+00 : f32
      %max3A_101 = vector.broadcast %max3A_100 : f32 to vector<16xf32>
      %max3A_102 = arith.maximumf %add3A_99, %max3A_101 : vector<16xf32>
      %swap3A_103 = arith.index_cast %add3A_89 : i32 to index
      %swap3A_104 = arith.constant 0 : index
      %swap3A_105 = tpu.vector_load %arg12[%swap3A_103, %swap3A_104] {strides = array<i32>} : memref<625x16xf32, #tpu.memory_space<vmem>>, vector<1x16xf32>,
      %swap3A_106 = vector.shape_cast %swap3A_105 : vector<1x16xf32> to vector<16xf32>
      %swap3A_107 = vector.shape_cast %max3A_102 : vector<16xf32> to vector<1x16xf32>
      tpu.vector_store %arg12[%swap3A_103, %swap3A_104], %swap3A_107 {strides = array<i32>} : memref<625x16xf32, #tpu.memory_space<vmem>>, vector<1x16xf32>,
      %mul3A_108 = arith.constant 25 : i32
      %mul3A_109 = arith.muli %scan3A_65, %mul3A_108 : i32
      %add3A_110 = arith.constant 2 : i32
      %add3A_111 = arith.addi %mul3A_109, %add3A_110 : i32
      %get3A_112 = arith.index_cast %add3A_111 : i32 to index
      %get3A_113 = arith.constant 0 : index
      %get3A_114 = tpu.vector_load %arg12[%get3A_112, %get3A_113] {strides = array<i32>} : memref<625x16xf32, #tpu.memory_space<vmem>>, vector<1x16xf32>,
      %get3A_115 = vector.shape_cast %get3A_114 : vector<1x16xf32> to vector<16xf32>
      %get3A_116 = arith.index_cast %add3A_111 : i32 to index
      %get3A_117 = arith.constant 0 : index
      %get3A_118 = tpu.vector_load %arg13[%get3A_116, %get3A_117] {strides = array<i32>} : memref<625x16xf32, #tpu.memory_space<vmem>>, vector<1x16xf32>,
      %get3A_119 = vector.shape_cast %get3A_118 : vector<1x16xf32> to vector<16xf32>
      %add3A_120 = arith.addf %get3A_115, %get3A_119 : vector<16xf32>
      %add3A_121 = arith.addf %add3A_120, %get3A_21 : vector<16xf32>
      %max3A_122 = arith.constant 0.000000e+00 : f32
      %max3A_123 = vector.broadcast %max3A_122 : f32 to vector<16xf32>
      %max3A_124 = arith.maximumf %add3A_121, %max3A_123 : vector<16xf32>
      %swap3A_125 = arith.index_cast %add3A_111 : i32 to index
      %swap3A_126 = arith.constant 0 : index
      %swap3A_127 = tpu.vector_load %arg12[%swap3A_125, %swap3A_126] {strides = array<i32>} : memref<625x16xf32, #tpu.memory_space<vmem>>, vector<1x16xf32>,
      %swap3A_128 = vector.shape_cast %swap3A_127 : vector<1x16xf32> to vector<16xf32>
      %swap3A_129 = vector.shape_cast %max3A_124 : vector<16xf32> to vector<1x16xf32>
      tpu.vector_store %arg12[%swap3A_125, %swap3A_126], %swap3A_129 {strides = array<i32>} : memref<625x16xf32, #tpu.memory_space<vmem>>, vector<1x16xf32>,
      %mul3A_130 = arith.constant 25 : i32
      %mul3A_131 = arith.muli %scan3A_65, %mul3A_130 : i32
      %add3A_132 = arith.constant 3 : i32
      %add3A_133 = arith.addi %mul3A_131, %add3A_132 : i32
      %get3A_134 = arith.index_cast %add3A_133 : i32 to index
      %get3A_135 = arith.constant 0 : index
      %get3A_136 = tpu.vector_load %arg12[%get3A_134, %get3A_135] {strides = array<i32>} : memref<625x16xf32, #tpu.memory_space<vmem>>, vector<1x16xf32>,
      %get3A_137 = vector.shape_cast %get3A_136 : vector<1x16xf32> to vector<16xf32>
      %get3A_138 = arith.index_cast %add3A_133 : i32 to index
      %get3A_139 = arith.constant 0 : index
      %get3A_140 = tpu.vector_load %arg13[%get3A_138, %get3A_139] {strides = array<i32>} : memref<625x16xf32, #tpu.memory_space<vmem>>, vector<1x16xf32>,
      %get3A_141 = vector.shape_cast %get3A_140 : vector<1x16xf32> to vector<16xf32>
      %add3A_142 = arith.addf %get3A_137, %get3A_141 : vector<16xf32>
      %add3A_143 = arith.addf %add3A_142, %get3A_21 : vector<16xf32>
      %max3A_144 = arith.constant 0.000000e+00 : f32
      %max3A_145 = vector.broadcast %max3A_144 : f32 to vector<16xf32>
      %max3A_146 = arith.maximumf %add3A_143, %max3A_145 : vector<16xf32>
      %swap3A_147 = arith.index_cast %add3A_133 : i32 to index
      %swap3A_148 = arith.constant 0 : index
      %swap3A_149 = tpu.vector_load %arg12[%swap3A_147, %swap3A_148] {strides = array<i32>} : memref<625x16xf32, #tpu.memory_space<vmem>>, vector<1x16xf32>,
      %swap3A_150 = vector.shape_cast %swap3A_149 : vector<1x16xf32> to vector<16xf32>
      %swap3A_151 = vector.shape_cast %max3A_146 : vector<16xf32> to vector<1x16xf32>
      tpu.vector_store %arg12[%swap3A_147, %swap3A_148], %swap3A_151 {strides = array<i32>} : memref<625x16xf32, #tpu.memory_space<vmem>>, vector<1x16xf32>,
      %mul3A_152 = arith.constant 25 : i32
      %mul3A_153 = arith.muli %scan3A_65, %mul3A_152 : i32
      %add3A_154 = arith.constant 4 : i32
      %add3A_155 = arith.addi %mul3A_153, %add3A_154 : i32
      %get3A_156 = arith.index_cast %add3A_155 : i32 to index
      %get3A_157 = arith.constant 0 : index
      %get3A_158 = tpu.vector_load %arg12[%get3A_156, %get3A_157] {strides = array<i32>} : memref<625x16xf32, #tpu.memory_space<vmem>>, vector<1x16xf32>,
      %get3A_159 = vector.shape_cast %get3A_158 : vector<1x16xf32> to vector<16xf32>
      %get3A_160 = arith.index_cast %add3A_155 : i32 to index
      %get3A_161 = arith.constant 0 : index
      %get3A_162 = tpu.vector_load %arg13[%get3A_160, %get3A_161] {strides = array<i32>} : memref<625x16xf32, #tpu.memory_space<vmem>>, vector<1x16xf32>,
      %get3A_163 = vector.shape_cast %get3A_162 : vector<1x16xf32> to vector<16xf32>
      %add3A_164 = arith.addf %get3A_159, %get3A_163 : vector<16xf32>
      %add3A_165 = arith.addf %add3A_164, %get3A_21 : vector<16xf32>
      %max3A_166 = arith.constant 0.000000e+00 : f32
      %max3A_167 = vector.broadcast %max3A_166 : f32 to vector<16xf32>
      %max3A_168 = arith.maximumf %add3A_165, %max3A_167 : vector<16xf32>
      %swap3A_169 = arith.index_cast %add3A_155 : i32 to index
      %swap3A_170 = arith.constant 0 : index
      %swap3A_171 = tpu.vector_load %arg12[%swap3A_169, %swap3A_170] {strides = array<i32>} : memref<625x16xf32, #tpu.memory_space<vmem>>, vector<1x16xf32>,
      %swap3A_172 = vector.shape_cast %swap3A_171 : vector<1x16xf32> to vector<16xf32>
      %swap3A_173 = vector.shape_cast %max3A_168 : vector<16xf32> to vector<1x16xf32>
      tpu.vector_store %arg12[%swap3A_169, %swap3A_170], %swap3A_173 {strides = array<i32>} : memref<625x16xf32, #tpu.memory_space<vmem>>, vector<1x16xf32>,
      %mul3A_174 = arith.constant 25 : i32
      %mul3A_175 = arith.muli %scan3A_65, %mul3A_174 : i32
      %add3A_176 = arith.constant 5 : i32
      %add3A_177 = arith.addi %mul3A_175, %add3A_176 : i32
      %get3A_178 = arith.index_cast %add3A_177 : i32 to index
      %get3A_179 = arith.constant 0 : index
      %get3A_180 = tpu.vector_load %arg12[%get3A_178, %get3A_179] {strides = array<i32>} : memref<625x16xf32, #tpu.memory_space<vmem>>, vector<1x16xf32>,
      %get3A_181 = vector.shape_cast %get3A_180 : vector<1x16xf32> to vector<16xf32>
      %get3A_182 = arith.index_cast %add3A_177 : i32 to index
      %get3A_183 = arith.constant 0 : index
      %get3A_184 = tpu.vector_load %arg13[%get3A_182, %get3A_183] {strides = array<i32>} : memref<625x16xf32, #tpu.memory_space<vmem>>, vector<1x16xf32>,
      %get3A_185 = vector.shape_cast %get3A_184 : vector<1x16xf32> to vector<16xf32>
      %add3A_186 = arith.addf %get3A_181, %get3A_185 : vector<16xf32>
      %add3A_187 = arith.addf %add3A_186, %get3A_21 : vector<16xf32>
      %max3A_188 = arith.constant 0.000000e+00 : f32
      %max3A_189 = vector.broadcast %max3A_188 : f32 to vector<16xf32>
      %max3A_190 = arith.maximumf %add3A_187, %max3A_189 : vector<16xf32>
      %swap3A_191 = arith.index_cast %add3A_177 : i32 to index
      %swap3A_192 = arith.constant 0 : index
      %swap3A_193 = tpu.vector_load %arg12[%swap3A_191, %swap3A_192] {strides = array<i32>} : memref<625x16xf32, #tpu.memory_space<vmem>>, vector<1x16xf32>,
      %swap3A_194 = vector.shape_cast %swap3A_193 : vector<1x16xf32> to vector<16xf32>
      %swap3A_195 = vector.shape_cast %max3A_190 : vector<16xf32> to vector<1x16xf32>
      tpu.vector_store %arg12[%swap3A_191, %swap3A_192], %swap3A_195 {strides = array<i32>} : memref<625x16xf32, #tpu.memory_space<vmem>>, vector<1x16xf32>,
      %mul3A_196 = arith.constant 25 : i32
      %mul3A_197 = arith.muli %scan3A_65, %mul3A_196 : i32
      %add3A_198 = arith.constant 6 : i32
      %add3A_199 = arith.addi %mul3A_197, %add3A_198 : i32
      %get3A_200 = arith.index_cast %add3A_199 : i32 to index
      %get3A_201 = arith.constant 0 : index
      %get3A_202 = tpu.vector_load %arg12[%get3A_200, %get3A_201] {strides = array<i32>} : memref<625x16xf32, #tpu.memory_space<vmem>>, vector<1x16xf32>,
      %get3A_203 = vector.shape_cast %get3A_202 : vector<1x16xf32> to vector<16xf32>
      %get3A_204 = arith.index_cast %add3A_199 : i32 to index
      %get3A_205 = arith.constant 0 : index
      %get3A_206 = tpu.vector_load %arg13[%get3A_204, %get3A_205] {strides = array<i32>} : memref<625x16xf32, #tpu.memory_space<vmem>>, vector<1x16xf32>,
      %get3A_207 = vector.shape_cast %get3A_206 : vector<1x16xf32> to vector<16xf32>
      %add3A_208 = arith.addf %get3A_203, %get3A_207 : vector<16xf32>
      %add3A_209 = arith.addf %add3A_208, %get3A_21 : vector<16xf32>
      %max3A_210 = arith.constant 0.000000e+00 : f32
      %max3A_211 = vector.broadcast %max3A_210 : f32 to vector<16xf32>
      %max3A_212 = arith.maximumf %add3A_209, %max3A_211 : vector<16xf32>
      %swap3A_213 = arith.index_cast %add3A_199 : i32 to index
      %swap3A_214 = arith.constant 0 : index
      %swap3A_215 = tpu.vector_load %arg12[%swap3A_213, %swap3A_214] {strides = array<i32>} : memref<625x16xf32, #tpu.memory_space<vmem>>, vector<1x16xf32>,
      %swap3A_216 = vector.shape_cast %swap3A_215 : vector<1x16xf32> to vector<16xf32>
      %swap3A_217 = vector.shape_cast %max3A_212 : vector<16xf32> to vector<1x16xf32>
      tpu.vector_store %arg12[%swap3A_213, %swap3A_214], %swap3A_217 {strides = array<i32>} : memref<625x16xf32, #tpu.memory_space<vmem>>, vector<1x16xf32>,
      %mul3A_218 = arith.constant 25 : i32
      %mul3A_219 = arith.muli %scan3A_65, %mul3A_218 : i32
      %add3A_220 = arith.constant 7 : i32
      %add3A_221 = arith.addi %mul3A_219, %add3A_220 : i32
      %get3A_222 = arith.index_cast %add3A_221 : i32 to index
      %get3A_223 = arith.constant 0 : index
      %get3A_224 = tpu.vector_load %arg12[%get3A_222, %get3A_223] {strides = array<i32>} : memref<625x16xf32, #tpu.memory_space<vmem>>, vector<1x16xf32>,
      %get3A_225 = vector.shape_cast %get3A_224 : vector<1x16xf32> to vector<16xf32>
      %get3A_226 = arith.index_cast %add3A_221 : i32 to index
      %get3A_227 = arith.constant 0 : index
      %get3A_228 = tpu.vector_load %arg13[%get3A_226, %get3A_227] {strides = array<i32>} : memref<625x16xf32, #tpu.memory_space<vmem>>, vector<1x16xf32>,
      %get3A_229 = vector.shape_cast %get3A_228 : vector<1x16xf32> to vector<16xf32>
      %add3A_230 = arith.addf %get3A_225, %get3A_229 : vector<16xf32>
      %add3A_231 = arith.addf %add3A_230, %get3A_21 : vector<16xf32>
      %max3A_232 = arith.constant 0.000000e+00 : f32
      %max3A_233 = vector.broadcast %max3A_232 : f32 to vector<16xf32>
      %max3A_234 = arith.maximumf %add3A_231, %max3A_233 : vector<16xf32>
      %swap3A_235 = arith.index_cast %add3A_221 : i32 to index
      %swap3A_236 = arith.constant 0 : index
      %swap3A_237 = tpu.vector_load %arg12[%swap3A_235, %swap3A_236] {strides = array<i32>} : memref<625x16xf32, #tpu.memory_space<vmem>>, vector<1x16xf32>,
      %swap3A_238 = vector.shape_cast %swap3A_237 : vector<1x16xf32> to vector<16xf32>
      %swap3A_239 = vector.shape_cast %max3A_234 : vector<16xf32> to vector<1x16xf32>
      tpu.vector_store %arg12[%swap3A_235, %swap3A_236], %swap3A_239 {strides = array<i32>} : memref<625x16xf32, #tpu.memory_space<vmem>>, vector<1x16xf32>,
      %mul3A_240 = arith.constant 25 : i32
      %mul3A_241 = arith.muli %scan3A_65, %mul3A_240 : i32
      %add3A_242 = arith.constant 8 : i32
      %add3A_243 = arith.addi %mul3A_241, %add3A_242 : i32
      %get3A_244 = arith.index_cast %add3A_243 : i32 to index
      %get3A_245 = arith.constant 0 : index
      %get3A_246 = tpu.vector_load %arg12[%get3A_244, %get3A_245] {strides = array<i32>} : memref<625x16xf32, #tpu.memory_space<vmem>>, vector<1x16xf32>,
      %get3A_247 = vector.shape_cast %get3A_246 : vector<1x16xf32> to vector<16xf32>
      %get3A_248 = arith.index_cast %add3A_243 : i32 to index
      %get3A_249 = arith.constant 0 : index
      %get3A_250 = tpu.vector_load %arg13[%get3A_248, %get3A_249] {strides = array<i32>} : memref<625x16xf32, #tpu.memory_space<vmem>>, vector<1x16xf32>,
      %get3A_251 = vector.shape_cast %get3A_250 : vector<1x16xf32> to vector<16xf32>
      %add3A_252 = arith.addf %get3A_247, %get3A_251 : vector<16xf32>
      %add3A_253 = arith.addf %add3A_252, %get3A_21 : vector<16xf32>
      %max3A_254 = arith.constant 0.000000e+00 : f32
      %max3A_255 = vector.broadcast %max3A_254 : f32 to vector<16xf32>
      %max3A_256 = arith.maximumf %add3A_253, %max3A_255 : vector<16xf32>
      %swap3A_257 = arith.index_cast %add3A_243 : i32 to index
      %swap3A_258 = arith.constant 0 : index
      %swap3A_259 = tpu.vector_load %arg12[%swap3A_257, %swap3A_258] {strides = array<i32>} : memref<625x16xf32, #tpu.memory_space<vmem>>, vector<1x16xf32>,
      %swap3A_260 = vector.shape_cast %swap3A_259 : vector<1x16xf32> to vector<16xf32>
      %swap3A_261 = vector.shape_cast %max3A_256 : vector<16xf32> to vector<1x16xf32>
      tpu.vector_store %arg12[%swap3A_257, %swap3A_258], %swap3A_261 {strides = array<i32>} : memref<625x16xf32, #tpu.memory_space<vmem>>, vector<1x16xf32>,
      %mul3A_262 = arith.constant 25 : i32
      %mul3A_263 = arith.muli %scan3A_65, %mul3A_262 : i32
      %add3A_264 = arith.constant 9 : i32
      %add3A_265 = arith.addi %mul3A_263, %add3A_264 : i32
      %get3A_266 = arith.index_cast %add3A_265 : i32 to index
      %get3A_267 = arith.constant 0 : index
      %get3A_268 = tpu.vector_load %arg12[%get3A_266, %get3A_267] {strides = array<i32>} : memref<625x16xf32, #tpu.memory_space<vmem>>, vector<1x16xf32>,
      %get3A_269 = vector.shape_cast %get3A_268 : vector<1x16xf32> to vector<16xf32>
      %get3A_270 = arith.index_cast %add3A_265 : i32 to index
      %get3A_271 = arith.constant 0 : index
      %get3A_272 = tpu.vector_load %arg13[%get3A_270, %get3A_271] {strides = array<i32>} : memref<625x16xf32, #tpu.memory_space<vmem>>, vector<1x16xf32>,
      %get3A_273 = vector.shape_cast %get3A_272 : vector<1x16xf32> to vector<16xf32>
      %add3A_274 = arith.addf %get3A_269, %get3A_273 : vector<16xf32>
      %add3A_275 = arith.addf %add3A_274, %get3A_21 : vector<16xf32>
      %max3A_276 = arith.constant 0.000000e+00 : f32
      %max3A_277 = vector.broadcast %max3A_276 : f32 to vector<16xf32>
      %max3A_278 = arith.maximumf %add3A_275, %max3A_277 : vector<16xf32>
      %swap3A_279 = arith.index_cast %add3A_265 : i32 to index
      %swap3A_280 = arith.constant 0 : index
      %swap3A_281 = tpu.vector_load %arg12[%swap3A_279, %swap3A_280] {strides = array<i32>} : memref<625x16xf32, #tpu.memory_space<vmem>>, vector<1x16xf32>,
      %swap3A_282 = vector.shape_cast %swap3A_281 : vector<1x16xf32> to vector<16xf32>
      %swap3A_283 = vector.shape_cast %max3A_278 : vector<16xf32> to vector<1x16xf32>
      tpu.vector_store %arg12[%swap3A_279, %swap3A_280], %swap3A_283 {strides = array<i32>} : memref<625x16xf32, #tpu.memory_space<vmem>>, vector<1x16xf32>,
      %mul3A_284 = arith.constant 25 : i32
      %mul3A_285 = arith.muli %scan3A_65, %mul3A_284 : i32
      %add3A_286 = arith.constant 10 : i32
      %add3A_287 = arith.addi %mul3A_285, %add3A_286 : i32
      %get3A_288 = arith.index_cast %add3A_287 : i32 to index
      %get3A_289 = arith.constant 0 : index
      %get3A_290 = tpu.vector_load %arg12[%get3A_288, %get3A_289] {strides = array<i32>} : memref<625x16xf32, #tpu.memory_space<vmem>>, vector<1x16xf32>,
      %get3A_291 = vector.shape_cast %get3A_290 : vector<1x16xf32> to vector<16xf32>
      %get3A_292 = arith.index_cast %add3A_287 : i32 to index
      %get3A_293 = arith.constant 0 : index
      %get3A_294 = tpu.vector_load %arg13[%get3A_292, %get3A_293] {strides = array<i32>} : memref<625x16xf32, #tpu.memory_space<vmem>>, vector<1x16xf32>,
      %get3A_295 = vector.shape_cast %get3A_294 : vector<1x16xf32> to vector<16xf32>
      %add3A_296 = arith.addf %get3A_291, %get3A_295 : vector<16xf32>
      %add3A_297 = arith.addf %add3A_296, %get3A_21 : vector<16xf32>
      %max3A_298 = arith.constant 0.000000e+00 : f32
      %max3A_299 = vector.broadcast %max3A_298 : f32 to vector<16xf32>
      %max3A_300 = arith.maximumf %add3A_297, %max3A_299 : vector<16xf32>
      %swap3A_301 = arith.index_cast %add3A_287 : i32 to index
      %swap3A_302 = arith.constant 0 : index
      %swap3A_303 = tpu.vector_load %arg12[%swap3A_301, %swap3A_302] {strides = array<i32>} : memref<625x16xf32, #tpu.memory_space<vmem>>, vector<1x16xf32>,
      %swap3A_304 = vector.shape_cast %swap3A_303 : vector<1x16xf32> to vector<16xf32>
      %swap3A_305 = vector.shape_cast %max3A_300 : vector<16xf32> to vector<1x16xf32>
      tpu.vector_store %arg12[%swap3A_301, %swap3A_302], %swap3A_305 {strides = array<i32>} : memref<625x16xf32, #tpu.memory_space<vmem>>, vector<1x16xf32>,
      %mul3A_306 = arith.constant 25 : i32
      %mul3A_307 = arith.muli %scan3A_65, %mul3A_306 : i32
      %add3A_308 = arith.constant 11 : i32
      %add3A_309 = arith.addi %mul3A_307, %add3A_308 : i32
      %get3A_310 = arith.index_cast %add3A_309 : i32 to index
      %get3A_311 = arith.constant 0 : index
      %get3A_312 = tpu.vector_load %arg12[%get3A_310, %get3A_311] {strides = array<i32>} : memref<625x16xf32, #tpu.memory_space<vmem>>, vector<1x16xf32>,
      %get3A_313 = vector.shape_cast %get3A_312 : vector<1x16xf32> to vector<16xf32>
      %get3A_314 = arith.index_cast %add3A_309 : i32 to index
      %get3A_315 = arith.constant 0 : index
      %get3A_316 = tpu.vector_load %arg13[%get3A_314, %get3A_315] {strides = array<i32>} : memref<625x16xf32, #tpu.memory_space<vmem>>, vector<1x16xf32>,
      %get3A_317 = vector.shape_cast %get3A_316 : vector<1x16xf32> to vector<16xf32>
      %add3A_318 = arith.addf %get3A_313, %get3A_317 : vector<16xf32>
      %add3A_319 = arith.addf %add3A_318, %get3A_21 : vector<16xf32>
      %max3A_320 = arith.constant 0.000000e+00 : f32
      %max3A_321 = vector.broadcast %max3A_320 : f32 to vector<16xf32>
      %max3A_322 = arith.maximumf %add3A_319, %max3A_321 : vector<16xf32>
      %swap3A_323 = arith.index_cast %add3A_309 : i32 to index
      %swap3A_324 = arith.constant 0 : index
      %swap3A_325 = tpu.vector_load %arg12[%swap3A_323, %swap3A_324] {strides = array<i32>} : memref<625x16xf32, #tpu.memory_space<vmem>>, vector<1x16xf32>,
      %swap3A_326 = vector.shape_cast %swap3A_325 : vector<1x16xf32> to vector<16xf32>
      %swap3A_327 = vector.shape_cast %max3A_322 : vector<16xf32> to vector<1x16xf32>
      tpu.vector_store %arg12[%swap3A_323, %swap3A_324], %swap3A_327 {strides = array<i32>} : memref<625x16xf32, #tpu.memory_space<vmem>>, vector<1x16xf32>,
      %mul3A_328 = arith.constant 25 : i32
      %mul3A_329 = arith.muli %scan3A_65, %mul3A_328 : i32
      %add3A_330 = arith.constant 12 : i32
      %add3A_331 = arith.addi %mul3A_329, %add3A_330 : i32
      %get3A_332 = arith.index_cast %add3A_331 : i32 to index
      %get3A_333 = arith.constant 0 : index
      %get3A_334 = tpu.vector_load %arg12[%get3A_332, %get3A_333] {strides = array<i32>} : memref<625x16xf32, #tpu.memory_space<vmem>>, vector<1x16xf32>,
      %get3A_335 = vector.shape_cast %get3A_334 : vector<1x16xf32> to vector<16xf32>
      %get3A_336 = arith.index_cast %add3A_331 : i32 to index
      %get3A_337 = arith.constant 0 : index
      %get3A_338 = tpu.vector_load %arg13[%get3A_336, %get3A_337] {strides = array<i32>} : memref<625x16xf32, #tpu.memory_space<vmem>>, vector<1x16xf32>,
      %get3A_339 = vector.shape_cast %get3A_338 : vector<1x16xf32> to vector<16xf32>
      %add3A_340 = arith.addf %get3A_335, %get3A_339 : vector<16xf32>
      %add3A_341 = arith.addf %add3A_340, %get3A_21 : vector<16xf32>
      %max3A_342 = arith.constant 0.000000e+00 : f32
      %max3A_343 = vector.broadcast %max3A_342 : f32 to vector<16xf32>
      %max3A_344 = arith.maximumf %add3A_341, %max3A_343 : vector<16xf32>
      %swap3A_345 = arith.index_cast %add3A_331 : i32 to index
      %swap3A_346 = arith.constant 0 : index
      %swap3A_347 = tpu.vector_load %arg12[%swap3A_345, %swap3A_346] {strides = array<i32>} : memref<625x16xf32, #tpu.memory_space<vmem>>, vector<1x16xf32>,
      %swap3A_348 = vector.shape_cast %swap3A_347 : vector<1x16xf32> to vector<16xf32>
      %swap3A_349 = vector.shape_cast %max3A_344 : vector<16xf32> to vector<1x16xf32>
      tpu.vector_store %arg12[%swap3A_345, %swap3A_346], %swap3A_349 {strides = array<i32>} : memref<625x16xf32, #tpu.memory_space<vmem>>, vector<1x16xf32>,
      %mul3A_350 = arith.constant 25 : i32
      %mul3A_351 = arith.muli %scan3A_65, %mul3A_350 : i32
      %add3A_352 = arith.constant 13 : i32
      %add3A_353 = arith.addi %mul3A_351, %add3A_352 : i32
      %get3A_354 = arith.index_cast %add3A_353 : i32 to index
      %get3A_355 = arith.constant 0 : index
      %get3A_356 = tpu.vector_load %arg12[%get3A_354, %get3A_355] {strides = array<i32>} : memref<625x16xf32, #tpu.memory_space<vmem>>, vector<1x16xf32>,
      %get3A_357 = vector.shape_cast %get3A_356 : vector<1x16xf32> to vector<16xf32>
      %get3A_358 = arith.index_cast %add3A_353 : i32 to index
      %get3A_359 = arith.constant 0 : index
      %get3A_360 = tpu.vector_load %arg13[%get3A_358, %get3A_359] {strides = array<i32>} : memref<625x16xf32, #tpu.memory_space<vmem>>, vector<1x16xf32>,
      %get3A_361 = vector.shape_cast %get3A_360 : vector<1x16xf32> to vector<16xf32>
      %add3A_362 = arith.addf %get3A_357, %get3A_361 : vector<16xf32>
      %add3A_363 = arith.addf %add3A_362, %get3A_21 : vector<16xf32>
      %max3A_364 = arith.constant 0.000000e+00 : f32
      %max3A_365 = vector.broadcast %max3A_364 : f32 to vector<16xf32>
      %max3A_366 = arith.maximumf %add3A_363, %max3A_365 : vector<16xf32>
      %swap3A_367 = arith.index_cast %add3A_353 : i32 to index
      %swap3A_368 = arith.constant 0 : index
      %swap3A_369 = tpu.vector_load %arg12[%swap3A_367, %swap3A_368] {strides = array<i32>} : memref<625x16xf32, #tpu.memory_space<vmem>>, vector<1x16xf32>,
      %swap3A_370 = vector.shape_cast %swap3A_369 : vector<1x16xf32> to vector<16xf32>
      %swap3A_371 = vector.shape_cast %max3A_366 : vector<16xf32> to vector<1x16xf32>
      tpu.vector_store %arg12[%swap3A_367, %swap3A_368], %swap3A_371 {strides = array<i32>} : memref<625x16xf32, #tpu.memory_space<vmem>>, vector<1x16xf32>,
      %mul3A_372 = arith.constant 25 : i32
      %mul3A_373 = arith.muli %scan3A_65, %mul3A_372 : i32
      %add3A_374 = arith.constant 14 : i32
      %add3A_375 = arith.addi %mul3A_373, %add3A_374 : i32
      %get3A_376 = arith.index_cast %add3A_375 : i32 to index
      %get3A_377 = arith.constant 0 : index
      %get3A_378 = tpu.vector_load %arg12[%get3A_376, %get3A_377] {strides = array<i32>} : memref<625x16xf32, #tpu.memory_space<vmem>>, vector<1x16xf32>,
      %get3A_379 = vector.shape_cast %get3A_378 : vector<1x16xf32> to vector<16xf32>
      %get3A_380 = arith.index_cast %add3A_375 : i32 to index
      %get3A_381 = arith.constant 0 : index
      %get3A_382 = tpu.vector_load %arg13[%get3A_380, %get3A_381] {strides = array<i32>} : memref<625x16xf32, #tpu.memory_space<vmem>>, vector<1x16xf32>,
      %get3A_383 = vector.shape_cast %get3A_382 : vector<1x16xf32> to vector<16xf32>
      %add3A_384 = arith.addf %get3A_379, %get3A_383 : vector<16xf32>
      %add3A_385 = arith.addf %add3A_384, %get3A_21 : vector<16xf32>
      %max3A_386 = arith.constant 0.000000e+00 : f32
      %max3A_387 = vector.broadcast %max3A_386 : f32 to vector<16xf32>
      %max3A_388 = arith.maximumf %add3A_385, %max3A_387 : vector<16xf32>
      %swap3A_389 = arith.index_cast %add3A_375 : i32 to index
      %swap3A_390 = arith.constant 0 : index
      %swap3A_391 = tpu.vector_load %arg12[%swap3A_389, %swap3A_390] {strides = array<i32>} : memref<625x16xf32, #tpu.memory_space<vmem>>, vector<1x16xf32>,
      %swap3A_392 = vector.shape_cast %swap3A_391 : vector<1x16xf32> to vector<16xf32>
      %swap3A_393 = vector.shape_cast %max3A_388 : vector<16xf32> to vector<1x16xf32>
      tpu.vector_store %arg12[%swap3A_389, %swap3A_390], %swap3A_393 {strides = array<i32>} : memref<625x16xf32, #tpu.memory_space<vmem>>, vector<1x16xf32>,
      %mul3A_394 = arith.constant 25 : i32
      %mul3A_395 = arith.muli %scan3A_65, %mul3A_394 : i32
      %add3A_396 = arith.constant 15 : i32
      %add3A_397 = arith.addi %mul3A_395, %add3A_396 : i32
      %get3A_398 = arith.index_cast %add3A_397 : i32 to index
      %get3A_399 = arith.constant 0 : index
      %get3A_400 = tpu.vector_load %arg12[%get3A_398, %get3A_399] {strides = array<i32>} : memref<625x16xf32, #tpu.memory_space<vmem>>, vector<1x16xf32>,
      %get3A_401 = vector.shape_cast %get3A_400 : vector<1x16xf32> to vector<16xf32>
      %get3A_402 = arith.index_cast %add3A_397 : i32 to index
      %get3A_403 = arith.constant 0 : index
      %get3A_404 = tpu.vector_load %arg13[%get3A_402, %get3A_403] {strides = array<i32>} : memref<625x16xf32, #tpu.memory_space<vmem>>, vector<1x16xf32>,
      %get3A_405 = vector.shape_cast %get3A_404 : vector<1x16xf32> to vector<16xf32>
      %add3A_406 = arith.addf %get3A_401, %get3A_405 : vector<16xf32>
      %add3A_407 = arith.addf %add3A_406, %get3A_21 : vector<16xf32>
      %max3A_408 = arith.constant 0.000000e+00 : f32
      %max3A_409 = vector.broadcast %max3A_408 : f32 to vector<16xf32>
      %max3A_410 = arith.maximumf %add3A_407, %max3A_409 : vector<16xf32>
      %swap3A_411 = arith.index_cast %add3A_397 : i32 to index
      %swap3A_412 = arith.constant 0 : index
      %swap3A_413 = tpu.vector_load %arg12[%swap3A_411, %swap3A_412] {strides = array<i32>} : memref<625x16xf32, #tpu.memory_space<vmem>>, vector<1x16xf32>,
      %swap3A_414 = vector.shape_cast %swap3A_413 : vector<1x16xf32> to vector<16xf32>
      %swap3A_415 = vector.shape_cast %max3A_410 : vector<16xf32> to vector<1x16xf32>
      tpu.vector_store %arg12[%swap3A_411, %swap3A_412], %swap3A_415 {strides = array<i32>} : memref<625x16xf32, #tpu.memory_space<vmem>>, vector<1x16xf32>,
      %mul3A_416 = arith.constant 25 : i32
      %mul3A_417 = arith.muli %scan3A_65, %mul3A_416 : i32
      %add3A_418 = arith.constant 16 : i32
      %add3A_419 = arith.addi %mul3A_417, %add3A_418 : i32
      %get3A_420 = arith.index_cast %add3A_419 : i32 to index
      %get3A_421 = arith.constant 0 : index
      %get3A_422 = tpu.vector_load %arg12[%get3A_420, %get3A_421] {strides = array<i32>} : memref<625x16xf32, #tpu.memory_space<vmem>>, vector<1x16xf32>,
      %get3A_423 = vector.shape_cast %get3A_422 : vector<1x16xf32> to vector<16xf32>
      %get3A_424 = arith.index_cast %add3A_419 : i32 to index
      %get3A_425 = arith.constant 0 : index
      %get3A_426 = tpu.vector_load %arg13[%get3A_424, %get3A_425] {strides = array<i32>} : memref<625x16xf32, #tpu.memory_space<vmem>>, vector<1x16xf32>,
      %get3A_427 = vector.shape_cast %get3A_426 : vector<1x16xf32> to vector<16xf32>
      %add3A_428 = arith.addf %get3A_423, %get3A_427 : vector<16xf32>
      %add3A_429 = arith.addf %add3A_428, %get3A_21 : vector<16xf32>
      %max3A_430 = arith.constant 0.000000e+00 : f32
      %max3A_431 = vector.broadcast %max3A_430 : f32 to vector<16xf32>
      %max3A_432 = arith.maximumf %add3A_429, %max3A_431 : vector<16xf32>
      %swap3A_433 = arith.index_cast %add3A_419 : i32 to index
      %swap3A_434 = arith.constant 0 : index
      %swap3A_435 = tpu.vector_load %arg12[%swap3A_433, %swap3A_434] {strides = array<i32>} : memref<625x16xf32, #tpu.memory_space<vmem>>, vector<1x16xf32>,
      %swap3A_436 = vector.shape_cast %swap3A_435 : vector<1x16xf32> to vector<16xf32>
      %swap3A_437 = vector.shape_cast %max3A_432 : vector<16xf32> to vector<1x16xf32>
      tpu.vector_store %arg12[%swap3A_433, %swap3A_434], %swap3A_437 {strides = array<i32>} : memref<625x16xf32, #tpu.memory_space<vmem>>, vector<1x16xf32>,
      %mul3A_438 = arith.constant 25 : i32
      %mul3A_439 = arith.muli %scan3A_65, %mul3A_438 : i32
      %add3A_440 = arith.constant 17 : i32
      %add3A_441 = arith.addi %mul3A_439, %add3A_440 : i32
      %get3A_442 = arith.index_cast %add3A_441 : i32 to index
      %get3A_443 = arith.constant 0 : index
      %get3A_444 = tpu.vector_load %arg12[%get3A_442, %get3A_443] {strides = array<i32>} : memref<625x16xf32, #tpu.memory_space<vmem>>, vector<1x16xf32>,
      %get3A_445 = vector.shape_cast %get3A_444 : vector<1x16xf32> to vector<16xf32>
      %get3A_446 = arith.index_cast %add3A_441 : i32 to index
      %get3A_447 = arith.constant 0 : index
      %get3A_448 = tpu.vector_load %arg13[%get3A_446, %get3A_447] {strides = array<i32>} : memref<625x16xf32, #tpu.memory_space<vmem>>, vector<1x16xf32>,
      %get3A_449 = vector.shape_cast %get3A_448 : vector<1x16xf32> to vector<16xf32>
      %add3A_450 = arith.addf %get3A_445, %get3A_449 : vector<16xf32>
      %add3A_451 = arith.addf %add3A_450, %get3A_21 : vector<16xf32>
      %max3A_452 = arith.constant 0.000000e+00 : f32
      %max3A_453 = vector.broadcast %max3A_452 : f32 to vector<16xf32>
      %max3A_454 = arith.maximumf %add3A_451, %max3A_453 : vector<16xf32>
      %swap3A_455 = arith.index_cast %add3A_441 : i32 to index
      %swap3A_456 = arith.constant 0 : index
      %swap3A_457 = tpu.vector_load %arg12[%swap3A_455, %swap3A_456] {strides = array<i32>} : memref<625x16xf32, #tpu.memory_space<vmem>>, vector<1x16xf32>,
      %swap3A_458 = vector.shape_cast %swap3A_457 : vector<1x16xf32> to vector<16xf32>
      %swap3A_459 = vector.shape_cast %max3A_454 : vector<16xf32> to vector<1x16xf32>
      tpu.vector_store %arg12[%swap3A_455, %swap3A_456], %swap3A_459 {strides = array<i32>} : memref<625x16xf32, #tpu.memory_space<vmem>>, vector<1x16xf32>,
      %mul3A_460 = arith.constant 25 : i32
      %mul3A_461 = arith.muli %scan3A_65, %mul3A_460 : i32
      %add3A_462 = arith.constant 18 : i32
      %add3A_463 = arith.addi %mul3A_461, %add3A_462 : i32
      %get3A_464 = arith.index_cast %add3A_463 : i32 to index
      %get3A_465 = arith.constant 0 : index
      %get3A_466 = tpu.vector_load %arg12[%get3A_464, %get3A_465] {strides = array<i32>} : memref<625x16xf32, #tpu.memory_space<vmem>>, vector<1x16xf32>,
      %get3A_467 = vector.shape_cast %get3A_466 : vector<1x16xf32> to vector<16xf32>
      %get3A_468 = arith.index_cast %add3A_463 : i32 to index
      %get3A_469 = arith.constant 0 : index
      %get3A_470 = tpu.vector_load %arg13[%get3A_468, %get3A_469] {strides = array<i32>} : memref<625x16xf32, #tpu.memory_space<vmem>>, vector<1x16xf32>,
      %get3A_471 = vector.shape_cast %get3A_470 : vector<1x16xf32> to vector<16xf32>
      %add3A_472 = arith.addf %get3A_467, %get3A_471 : vector<16xf32>
      %add3A_473 = arith.addf %add3A_472, %get3A_21 : vector<16xf32>
      %max3A_474 = arith.constant 0.000000e+00 : f32
      %max3A_475 = vector.broadcast %max3A_474 : f32 to vector<16xf32>
      %max3A_476 = arith.maximumf %add3A_473, %max3A_475 : vector<16xf32>
      %swap3A_477 = arith.index_cast %add3A_463 : i32 to index
      %swap3A_478 = arith.constant 0 : index
      %swap3A_479 = tpu.vector_load %arg12[%swap3A_477, %swap3A_478] {strides = array<i32>} : memref<625x16xf32, #tpu.memory_space<vmem>>, vector<1x16xf32>,
      %swap3A_480 = vector.shape_cast %swap3A_479 : vector<1x16xf32> to vector<16xf32>
      %swap3A_481 = vector.shape_cast %max3A_476 : vector<16xf32> to vector<1x16xf32>
      tpu.vector_store %arg12[%swap3A_477, %swap3A_478], %swap3A_481 {strides = array<i32>} : memref<625x16xf32, #tpu.memory_space<vmem>>, vector<1x16xf32>,
      %mul3A_482 = arith.constant 25 : i32
      %mul3A_483 = arith.muli %scan3A_65, %mul3A_482 : i32
      %add3A_484 = arith.constant 19 : i32
      %add3A_485 = arith.addi %mul3A_483, %add3A_484 : i32
      %get3A_486 = arith.index_cast %add3A_485 : i32 to index
      %get3A_487 = arith.constant 0 : index
      %get3A_488 = tpu.vector_load %arg12[%get3A_486, %get3A_487] {strides = array<i32>} : memref<625x16xf32, #tpu.memory_space<vmem>>, vector<1x16xf32>,
      %get3A_489 = vector.shape_cast %get3A_488 : vector<1x16xf32> to vector<16xf32>
      %get3A_490 = arith.index_cast %add3A_485 : i32 to index
      %get3A_491 = arith.constant 0 : index
      %get3A_492 = tpu.vector_load %arg13[%get3A_490, %get3A_491] {strides = array<i32>} : memref<625x16xf32, #tpu.memory_space<vmem>>, vector<1x16xf32>,
      %get3A_493 = vector.shape_cast %get3A_492 : vector<1x16xf32> to vector<16xf32>
      %add3A_494 = arith.addf %get3A_489, %get3A_493 : vector<16xf32>
      %add3A_495 = arith.addf %add3A_494, %get3A_21 : vector<16xf32>
      %max3A_496 = arith.constant 0.000000e+00 : f32
      %max3A_497 = vector.broadcast %max3A_496 : f32 to vector<16xf32>
      %max3A_498 = arith.maximumf %add3A_495, %max3A_497 : vector<16xf32>
      %swap3A_499 = arith.index_cast %add3A_485 : i32 to index
      %swap3A_500 = arith.constant 0 : index
      %swap3A_501 = tpu.vector_load %arg12[%swap3A_499, %swap3A_500] {strides = array<i32>} : memref<625x16xf32, #tpu.memory_space<vmem>>, vector<1x16xf32>,
      %swap3A_502 = vector.shape_cast %swap3A_501 : vector<1x16xf32> to vector<16xf32>
      %swap3A_503 = vector.shape_cast %max3A_498 : vector<16xf32> to vector<1x16xf32>
      tpu.vector_store %arg12[%swap3A_499, %swap3A_500], %swap3A_503 {strides = array<i32>} : memref<625x16xf32, #tpu.memory_space<vmem>>, vector<1x16xf32>,
      %mul3A_504 = arith.constant 25 : i32
      %mul3A_505 = arith.muli %scan3A_65, %mul3A_504 : i32
      %add3A_506 = arith.constant 20 : i32
      %add3A_507 = arith.addi %mul3A_505, %add3A_506 : i32
      %get3A_508 = arith.index_cast %add3A_507 : i32 to index
      %get3A_509 = arith.constant 0 : index
      %get3A_510 = tpu.vector_load %arg12[%get3A_508, %get3A_509] {strides = array<i32>} : memref<625x16xf32, #tpu.memory_space<vmem>>, vector<1x16xf32>,
      %get3A_511 = vector.shape_cast %get3A_510 : vector<1x16xf32> to vector<16xf32>
      %get3A_512 = arith.index_cast %add3A_507 : i32 to index
      %get3A_513 = arith.constant 0 : index
      %get3A_514 = tpu.vector_load %arg13[%get3A_512, %get3A_513] {strides = array<i32>} : memref<625x16xf32, #tpu.memory_space<vmem>>, vector<1x16xf32>,
      %get3A_515 = vector.shape_cast %get3A_514 : vector<1x16xf32> to vector<16xf32>
      %add3A_516 = arith.addf %get3A_511, %get3A_515 : vector<16xf32>
      %add3A_517 = arith.addf %add3A_516, %get3A_21 : vector<16xf32>
      %max3A_518 = arith.constant 0.000000e+00 : f32
      %max3A_519 = vector.broadcast %max3A_518 : f32 to vector<16xf32>
      %max3A_520 = arith.maximumf %add3A_517, %max3A_519 : vector<16xf32>
      %swap3A_521 = arith.index_cast %add3A_507 : i32 to index
      %swap3A_522 = arith.constant 0 : index
      %swap3A_523 = tpu.vector_load %arg12[%swap3A_521, %swap3A_522] {strides = array<i32>} : memref<625x16xf32, #tpu.memory_space<vmem>>, vector<1x16xf32>,
      %swap3A_524 = vector.shape_cast %swap3A_523 : vector<1x16xf32> to vector<16xf32>
      %swap3A_525 = vector.shape_cast %max3A_520 : vector<16xf32> to vector<1x16xf32>
      tpu.vector_store %arg12[%swap3A_521, %swap3A_522], %swap3A_525 {strides = array<i32>} : memref<625x16xf32, #tpu.memory_space<vmem>>, vector<1x16xf32>,
      %mul3A_526 = arith.constant 25 : i32
      %mul3A_527 = arith.muli %scan3A_65, %mul3A_526 : i32
      %add3A_528 = arith.constant 21 : i32
      %add3A_529 = arith.addi %mul3A_527, %add3A_528 : i32
      %get3A_530 = arith.index_cast %add3A_529 : i32 to index
      %get3A_531 = arith.constant 0 : index
      %get3A_532 = tpu.vector_load %arg12[%get3A_530, %get3A_531] {strides = array<i32>} : memref<625x16xf32, #tpu.memory_space<vmem>>, vector<1x16xf32>,
      %get3A_533 = vector.shape_cast %get3A_532 : vector<1x16xf32> to vector<16xf32>
      %get3A_534 = arith.index_cast %add3A_529 : i32 to index
      %get3A_535 = arith.constant 0 : index
      %get3A_536 = tpu.vector_load %arg13[%get3A_534, %get3A_535] {strides = array<i32>} : memref<625x16xf32, #tpu.memory_space<vmem>>, vector<1x16xf32>,
      %get3A_537 = vector.shape_cast %get3A_536 : vector<1x16xf32> to vector<16xf32>
      %add3A_538 = arith.addf %get3A_533, %get3A_537 : vector<16xf32>
      %add3A_539 = arith.addf %add3A_538, %get3A_21 : vector<16xf32>
      %max3A_540 = arith.constant 0.000000e+00 : f32
      %max3A_541 = vector.broadcast %max3A_540 : f32 to vector<16xf32>
      %max3A_542 = arith.maximumf %add3A_539, %max3A_541 : vector<16xf32>
      %swap3A_543 = arith.index_cast %add3A_529 : i32 to index
      %swap3A_544 = arith.constant 0 : index
      %swap3A_545 = tpu.vector_load %arg12[%swap3A_543, %swap3A_544] {strides = array<i32>} : memref<625x16xf32, #tpu.memory_space<vmem>>, vector<1x16xf32>,
      %swap3A_546 = vector.shape_cast %swap3A_545 : vector<1x16xf32> to vector<16xf32>
      %swap3A_547 = vector.shape_cast %max3A_542 : vector<16xf32> to vector<1x16xf32>
      tpu.vector_store %arg12[%swap3A_543, %swap3A_544], %swap3A_547 {strides = array<i32>} : memref<625x16xf32, #tpu.memory_space<vmem>>, vector<1x16xf32>,
      %mul3A_548 = arith.constant 25 : i32
      %mul3A_549 = arith.muli %scan3A_65, %mul3A_548 : i32
      %add3A_550 = arith.constant 22 : i32
      %add3A_551 = arith.addi %mul3A_549, %add3A_550 : i32
      %get3A_552 = arith.index_cast %add3A_551 : i32 to index
      %get3A_553 = arith.constant 0 : index
      %get3A_554 = tpu.vector_load %arg12[%get3A_552, %get3A_553] {strides = array<i32>} : memref<625x16xf32, #tpu.memory_space<vmem>>, vector<1x16xf32>,
      %get3A_555 = vector.shape_cast %get3A_554 : vector<1x16xf32> to vector<16xf32>
      %get3A_556 = arith.index_cast %add3A_551 : i32 to index
      %get3A_557 = arith.constant 0 : index
      %get3A_558 = tpu.vector_load %arg13[%get3A_556, %get3A_557] {strides = array<i32>} : memref<625x16xf32, #tpu.memory_space<vmem>>, vector<1x16xf32>,
      %get3A_559 = vector.shape_cast %get3A_558 : vector<1x16xf32> to vector<16xf32>
      %add3A_560 = arith.addf %get3A_555, %get3A_559 : vector<16xf32>
      %add3A_561 = arith.addf %add3A_560, %get3A_21 : vector<16xf32>
      %max3A_562 = arith.constant 0.000000e+00 : f32
      %max3A_563 = vector.broadcast %max3A_562 : f32 to vector<16xf32>
      %max3A_564 = arith.maximumf %add3A_561, %max3A_563 : vector<16xf32>
      %swap3A_565 = arith.index_cast %add3A_551 : i32 to index
      %swap3A_566 = arith.constant 0 : index
      %swap3A_567 = tpu.vector_load %arg12[%swap3A_565, %swap3A_566] {strides = array<i32>} : memref<625x16xf32, #tpu.memory_space<vmem>>, vector<1x16xf32>,
      %swap3A_568 = vector.shape_cast %swap3A_567 : vector<1x16xf32> to vector<16xf32>
      %swap3A_569 = vector.shape_cast %max3A_564 : vector<16xf32> to vector<1x16xf32>
      tpu.vector_store %arg12[%swap3A_565, %swap3A_566], %swap3A_569 {strides = array<i32>} : memref<625x16xf32, #tpu.memory_space<vmem>>, vector<1x16xf32>,
      %mul3A_570 = arith.constant 25 : i32
      %mul3A_571 = arith.muli %scan3A_65, %mul3A_570 : i32
      %add3A_572 = arith.constant 23 : i32
      %add3A_573 = arith.addi %mul3A_571, %add3A_572 : i32
      %get3A_574 = arith.index_cast %add3A_573 : i32 to index
      %get3A_575 = arith.constant 0 : index
      %get3A_576 = tpu.vector_load %arg12[%get3A_574, %get3A_575] {strides = array<i32>} : memref<625x16xf32, #tpu.memory_space<vmem>>, vector<1x16xf32>,
      %get3A_577 = vector.shape_cast %get3A_576 : vector<1x16xf32> to vector<16xf32>
      %get3A_578 = arith.index_cast %add3A_573 : i32 to index
      %get3A_579 = arith.constant 0 : index
      %get3A_580 = tpu.vector_load %arg13[%get3A_578, %get3A_579] {strides = array<i32>} : memref<625x16xf32, #tpu.memory_space<vmem>>, vector<1x16xf32>,
      %get3A_581 = vector.shape_cast %get3A_580 : vector<1x16xf32> to vector<16xf32>
      %add3A_582 = arith.addf %get3A_577, %get3A_581 : vector<16xf32>
      %add3A_583 = arith.addf %add3A_582, %get3A_21 : vector<16xf32>
      %max3A_584 = arith.constant 0.000000e+00 : f32
      %max3A_585 = vector.broadcast %max3A_584 : f32 to vector<16xf32>
      %max3A_586 = arith.maximumf %add3A_583, %max3A_585 : vector<16xf32>
      %swap3A_587 = arith.index_cast %add3A_573 : i32 to index
      %swap3A_588 = arith.constant 0 : index
      %swap3A_589 = tpu.vector_load %arg12[%swap3A_587, %swap3A_588] {strides = array<i32>} : memref<625x16xf32, #tpu.memory_space<vmem>>, vector<1x16xf32>,
      %swap3A_590 = vector.shape_cast %swap3A_589 : vector<1x16xf32> to vector<16xf32>
      %swap3A_591 = vector.shape_cast %max3A_586 : vector<16xf32> to vector<1x16xf32>
      tpu.vector_store %arg12[%swap3A_587, %swap3A_588], %swap3A_591 {strides = array<i32>} : memref<625x16xf32, #tpu.memory_space<vmem>>, vector<1x16xf32>,
      %mul3A_592 = arith.constant 25 : i32
      %mul3A_593 = arith.muli %scan3A_65, %mul3A_592 : i32
      %add3A_594 = arith.constant 24 : i32
      %add3A_595 = arith.addi %mul3A_593, %add3A_594 : i32
      %get3A_596 = arith.index_cast %add3A_595 : i32 to index
      %get3A_597 = arith.constant 0 : index
      %get3A_598 = tpu.vector_load %arg12[%get3A_596, %get3A_597] {strides = array<i32>} : memref<625x16xf32, #tpu.memory_space<vmem>>, vector<1x16xf32>,
      %get3A_599 = vector.shape_cast %get3A_598 : vector<1x16xf32> to vector<16xf32>
      %get3A_600 = arith.index_cast %add3A_595 : i32 to index
      %get3A_601 = arith.constant 0 : index
      %get3A_602 = tpu.vector_load %arg13[%get3A_600, %get3A_601] {strides = array<i32>} : memref<625x16xf32, #tpu.memory_space<vmem>>, vector<1x16xf32>,
      %get3A_603 = vector.shape_cast %get3A_602 : vector<1x16xf32> to vector<16xf32>
      %add3A_604 = arith.addf %get3A_599, %get3A_603 : vector<16xf32>
      %add3A_605 = arith.addf %add3A_604, %get3A_21 : vector<16xf32>
      %max3A_606 = arith.constant 0.000000e+00 : f32
      %max3A_607 = vector.broadcast %max3A_606 : f32 to vector<16xf32>
      %max3A_608 = arith.maximumf %add3A_605, %max3A_607 : vector<16xf32>
      %swap3A_609 = arith.index_cast %add3A_595 : i32 to index
      %swap3A_610 = arith.constant 0 : index
      %swap3A_611 = tpu.vector_load %arg12[%swap3A_609, %swap3A_610] {strides = array<i32>} : memref<625x16xf32, #tpu.memory_space<vmem>>, vector<1x16xf32>,
      %swap3A_612 = vector.shape_cast %swap3A_611 : vector<1x16xf32> to vector<16xf32>
      %swap3A_613 = vector.shape_cast %max3A_608 : vector<16xf32> to vector<1x16xf32>
      tpu.vector_store %arg12[%swap3A_609, %swap3A_610], %swap3A_613 {strides = array<i32>} : memref<625x16xf32, #tpu.memory_space<vmem>>, vector<1x16xf32>,
    }
    %scan3A_27 = arith.constant 25 : i32
    %mul3A_28 = arith.constant 625 : i32
    %mul3A_29 = arith.muli %arg1, %mul3A_28 : i32
    "tpu.region"() ({
      %run_scoped3A_65 = tpu.sem_alloc : memref<!tpu.dma_semaphore, #tpu.memory_space<semaphore_mem>>
      %dma_start3A_66 = arith.constant 0 : i32
      %dma_start3A_67 = tpu.memref_slice %arg11[%mul3A_29, %dma_start3A_66] : memref<10000x16xf32, #tpu.memory_space<vmem_shared>> -> memref<625x16xf32, #tpu.memory_space<vmem_shared>>
      %dma_start3A_68 = arith.constant 0 : i32
      %dma_start3A_69 = tpu.memref_slice %arg11[%mul3A_29, %dma_start3A_68] : memref<10000x16xf32, #tpu.memory_space<vmem_shared>> -> memref<625x16xf32, #tpu.memory_space<vmem_shared>>
      tpu.enqueue_dma source(%arg12 : memref<625x16xf32, #tpu.memory_space<vmem>>) target(%dma_start3A_69 : memref<625x16xf32, #tpu.memory_space<vmem_shared>>) target_semaphore(%run_scoped3A_65 : memref<!tpu.dma_semaphore, #tpu.memory_space<semaphore_mem>>)
      %dma_wait3A_70 = arith.constant 0 : i32
      %dma_wait3A_71 = tpu.memref_slice %arg11[%mul3A_29, %dma_wait3A_70] : memref<10000x16xf32, #tpu.memory_space<vmem_shared>> -> memref<625x16xf32, #tpu.memory_space<vmem_shared>>
      %dma_wait3A_72 = arith.constant 0 : i32
      %dma_wait3A_73 = tpu.memref_slice %arg11[%mul3A_29, %dma_wait3A_72] : memref<10000x16xf32, #tpu.memory_space<vmem_shared>> -> memref<625x16xf32, #tpu.memory_space<vmem_shared>>
      tpu.wait_dma2 semaphore(%run_scoped3A_65 : memref<!tpu.dma_semaphore, #tpu.memory_space<semaphore_mem>>) src(%arg12 : memref<625x16xf32, #tpu.memory_space<vmem>>) dst(%dma_wait3A_73 : memref<625x16xf32, #tpu.memory_space<vmem_shared>>)
      tpu.yield
    }) : () -> ()
    %barrier3A = arith.constant 0 : index
    tpu.barrier barrier_id(%barrier3A)
    %dma_start3A = arith.constant 0 : i32
    %dma_start3A_30 = arith.constant 0 : i32
    %dma_start3A_31 = arith.constant 0 : i32
    %dma_start3A_32 = arith.constant 0 : i32
    %dma_start3A_33 = tpu.memref_slice %arg8[%dma_start3A, %dma_start3A_31, %dma_start3A_32] : memref<2x1000x16xf32, #tpu.memory_space<vmem>> -> memref<1x1000x16xf32, #tpu.memory_space<vmem>>
    %dma_start3A_34 = tpu.memref_squeeze %dma_start3A_33 : memref<1x1000x16xf32, #tpu.memory_space<vmem>> -> memref<1000x16xf32, #tpu.memory_space<vmem>>
    %dma_start3A_35 = arith.constant 0 : i32
    %dma_start3A_36 = tpu.memref_slice %arg6[%dma_start3A_35] : memref<10000xi32, #tpu.memory_space<vmem>> -> memref<1000xi32, #tpu.memory_space<vmem>>
    %dma_start3A_37 = arith.constant 0 : i32
    %dma_start3A_38 = arith.constant 0 : i32
    %dma_start3A_39 = tpu.memref_slice %arg11[%dma_start3A_37, %dma_start3A_38] : memref<10000x16xf32, #tpu.memory_space<vmem_shared>> -> memref<10000x16xf32, #tpu.memory_space<vmem_shared>>
    %dma_start3A_40 = tpu.memref_slice %arg15[%dma_start3A_30] : memref<2x!tpu.dma_semaphore, #tpu.memory_space<semaphore_mem>> -> memref<1x!tpu.dma_semaphore, #tpu.memory_space<semaphore_mem>>
    %dma_start3A_41 = tpu.memref_squeeze %dma_start3A_40 : memref<1x!tpu.dma_semaphore, #tpu.memory_space<semaphore_mem>> -> memref<!tpu.dma_semaphore, #tpu.memory_space<semaphore_mem>>
    tpu.enqueue_indirect_dma source(%dma_start3A_39 : memref<10000x16xf32, #tpu.memory_space<vmem_shared>>) target(%dma_start3A_34 : memref<1000x16xf32, #tpu.memory_space<vmem>>) offsets(%dma_start3A_36 : memref<1000xi32, #tpu.memory_space<vmem>>) semaphore(%dma_start3A_41 : memref<!tpu.dma_semaphore, #tpu.memory_space<semaphore_mem>>)
    %scan3A_42 = arith.constant 0 : i32
    %scan3A_43 = arith.constant 0 : i32
    %scan3A_44 = arith.constant 10 : i32
    %scan3A_45 = arith.addi %scan3A_43, %scan3A_44 : i32
    %scan3A_46 = arith.constant 1 : i32
    scf.for %scan3A_65 = %scan3A_43 to %scan3A_45 step %scan3A_46  : i32 {
      %rem3A = arith.constant 2 : i32
      %rem3A_66 = arith.remsi %scan3A_65, %rem3A : i32
      %mul3A_67 = arith.constant 1000 : i32
      %mul3A_68 = arith.muli %scan3A_65, %mul3A_67 : i32
      %dma_wait3A_69 = arith.constant 0 : i32
      %dma_wait3A_70 = arith.constant 0 : i32
      %dma_wait3A_71 = tpu.memref_slice %arg8[%rem3A_66, %dma_wait3A_69, %dma_wait3A_70] : memref<2x1000x16xf32, #tpu.memory_space<vmem>> -> memref<1x1000x16xf32, #tpu.memory_space<vmem>>
      %dma_wait3A_72 = tpu.memref_squeeze %dma_wait3A_71 : memref<1x1000x16xf32, #tpu.memory_space<vmem>> -> memref<1000x16xf32, #tpu.memory_space<vmem>>
      %dma_wait3A_73 = tpu.memref_slice %arg6[%mul3A_68] : memref<10000xi32, #tpu.memory_space<vmem>> -> memref<1000xi32, #tpu.memory_space<vmem>>
      %dma_wait3A_74 = arith.constant 0 : i32
      %dma_wait3A_75 = arith.constant 0 : i32
      %dma_wait3A_76 = tpu.memref_slice %arg11[%dma_wait3A_74, %dma_wait3A_75] : memref<10000x16xf32, #tpu.memory_space<vmem_shared>> -> memref<10000x16xf32, #tpu.memory_space<vmem_shared>>
      %dma_wait3A_77 = tpu.memref_slice %arg15[%rem3A_66] : memref<2x!tpu.dma_semaphore, #tpu.memory_space<semaphore_mem>> -> memref<1x!tpu.dma_semaphore, #tpu.memory_space<semaphore_mem>>
      %dma_wait3A_78 = tpu.memref_squeeze %dma_wait3A_77 : memref<1x!tpu.dma_semaphore, #tpu.memory_space<semaphore_mem>> -> memref<!tpu.dma_semaphore, #tpu.memory_space<semaphore_mem>>
      tpu.wait_indirect_dma semaphore(%dma_wait3A_78 : memref<!tpu.dma_semaphore, #tpu.memory_space<semaphore_mem>>) src(%dma_wait3A_76 : memref<10000x16xf32, #tpu.memory_space<vmem_shared>>) dst(%dma_wait3A_72 : memref<1000x16xf32, #tpu.memory_space<vmem>>)
      %ge3A = arith.constant 1 : i32
      %ge3A_79 = arith.cmpi sge, %scan3A_65, %ge3A : i32
      %convert_element_type3A = arith.extui %ge3A_79 : i1 to i32
      %cond3A = arith.constant 0 : i32
      %cond3A_80 = arith.cmpi ne, %convert_element_type3A, %cond3A : i32
      scf.if %cond3A_80 {
        %sub3A = arith.constant 1 : i32
        %sub3A_99 = arith.subi %scan3A_65, %sub3A : i32
        %sub3A_100 = arith.constant 1 : i32
        %sub3A_101 = arith.subi %sub3A_100, %rem3A_66 : i32
        %mul3A_102 = arith.constant 1000 : i32
        %mul3A_103 = arith.muli %sub3A_99, %mul3A_102 : i32
        %dma_wait3A_104 = arith.constant 0 : i32
        %dma_wait3A_105 = arith.constant 0 : i32
        %dma_wait3A_106 = tpu.memref_slice %arg8[%sub3A_101, %dma_wait3A_104, %dma_wait3A_105] : memref<2x1000x16xf32, #tpu.memory_space<vmem>> -> memref<1x1000x16xf32, #tpu.memory_space<vmem>>
        %dma_wait3A_107 = tpu.memref_squeeze %dma_wait3A_106 : memref<1x1000x16xf32, #tpu.memory_space<vmem>> -> memref<1000x16xf32, #tpu.memory_space<vmem>>
        %dma_wait3A_108 = tpu.memref_slice %arg7[%mul3A_103] : memref<10000xi32, #tpu.memory_space<vmem>> -> memref<1000xi32, #tpu.memory_space<vmem>>
        %dma_wait3A_109 = arith.constant 0 : i32
        %dma_wait3A_110 = arith.constant 0 : i32
        %dma_wait3A_111 = tpu.memref_slice %arg10[%dma_wait3A_109, %dma_wait3A_110] : memref<10240x16xf32, #tpu.memory_space<vmem_shared>> -> memref<10240x16xf32, #tpu.memory_space<vmem_shared>>
        %dma_wait3A_112 = tpu.memref_slice %arg16[%sub3A_101] : memref<2x!tpu.dma_semaphore, #tpu.memory_space<semaphore_mem>> -> memref<1x!tpu.dma_semaphore, #tpu.memory_space<semaphore_mem>>
        %dma_wait3A_113 = tpu.memref_squeeze %dma_wait3A_112 : memref<1x!tpu.dma_semaphore, #tpu.memory_space<semaphore_mem>> -> memref<!tpu.dma_semaphore, #tpu.memory_space<semaphore_mem>>
        tpu.wait_indirect_dma semaphore(%dma_wait3A_113 : memref<!tpu.dma_semaphore, #tpu.memory_space<semaphore_mem>>) src(%dma_wait3A_107 : memref<1000x16xf32, #tpu.memory_space<vmem>>) dst(%dma_wait3A_111 : memref<10240x16xf32, #tpu.memory_space<vmem_shared>>)
      } else {
      }
      %add3A_81 = arith.constant 1 : i32
      %add3A_82 = arith.addi %scan3A_65, %add3A_81 : i32
      %lt3A = arith.constant 10 : i32
      %lt3A_83 = arith.cmpi slt, %add3A_82, %lt3A : i32
      %convert_element_type3A_84 = arith.extui %lt3A_83 : i1 to i32
      %cond3A_85 = arith.constant 0 : i32
      %cond3A_86 = arith.cmpi ne, %convert_element_type3A_84, %cond3A_85 : i32
      scf.if %cond3A_86 {
        %add3A_99 = arith.constant 1 : i32
        %add3A_100 = arith.addi %scan3A_65, %add3A_99 : i32
        %sub3A = arith.constant 1 : i32
        %sub3A_101 = arith.subi %sub3A, %rem3A_66 : i32
        %mul3A_102 = arith.constant 1000 : i32
        %mul3A_103 = arith.muli %add3A_100, %mul3A_102 : i32
        %dma_start3A_104 = arith.constant 0 : i32
        %dma_start3A_105 = arith.constant 0 : i32
        %dma_start3A_106 = tpu.memref_slice %arg8[%sub3A_101, %dma_start3A_104, %dma_start3A_105] : memref<2x1000x16xf32, #tpu.memory_space<vmem>> -> memref<1x1000x16xf32, #tpu.memory_space<vmem>>
        %dma_start3A_107 = tpu.memref_squeeze %dma_start3A_106 : memref<1x1000x16xf32, #tpu.memory_space<vmem>> -> memref<1000x16xf32, #tpu.memory_space<vmem>>
        %dma_start3A_108 = tpu.memref_slice %arg6[%mul3A_103] : memref<10000xi32, #tpu.memory_space<vmem>> -> memref<1000xi32, #tpu.memory_space<vmem>>
        %dma_start3A_109 = arith.constant 0 : i32
        %dma_start3A_110 = arith.constant 0 : i32
        %dma_start3A_111 = tpu.memref_slice %arg11[%dma_start3A_109, %dma_start3A_110] : memref<10000x16xf32, #tpu.memory_space<vmem_shared>> -> memref<10000x16xf32, #tpu.memory_space<vmem_shared>>
        %dma_start3A_112 = tpu.memref_slice %arg15[%sub3A_101] : memref<2x!tpu.dma_semaphore, #tpu.memory_space<semaphore_mem>> -> memref<1x!tpu.dma_semaphore, #tpu.memory_space<semaphore_mem>>
        %dma_start3A_113 = tpu.memref_squeeze %dma_start3A_112 : memref<1x!tpu.dma_semaphore, #tpu.memory_space<semaphore_mem>> -> memref<!tpu.dma_semaphore, #tpu.memory_space<semaphore_mem>>
        tpu.enqueue_indirect_dma source(%dma_start3A_111 : memref<10000x16xf32, #tpu.memory_space<vmem_shared>>) target(%dma_start3A_107 : memref<1000x16xf32, #tpu.memory_space<vmem>>) offsets(%dma_start3A_108 : memref<1000xi32, #tpu.memory_space<vmem>>) semaphore(%dma_start3A_113 : memref<!tpu.dma_semaphore, #tpu.memory_space<semaphore_mem>>)
      } else {
      }
      %mul3A_87 = arith.constant 1000 : i32
      %mul3A_88 = arith.muli %scan3A_65, %mul3A_87 : i32
      %dma_start3A_89 = arith.constant 0 : i32
      %dma_start3A_90 = arith.constant 0 : i32
      %dma_start3A_91 = tpu.memref_slice %arg8[%rem3A_66, %dma_start3A_89, %dma_start3A_90] : memref<2x1000x16xf32, #tpu.memory_space<vmem>> -> memref<1x1000x16xf32, #tpu.memory_space<vmem>>
      %dma_start3A_92 = tpu.memref_squeeze %dma_start3A_91 : memref<1x1000x16xf32, #tpu.memory_space<vmem>> -> memref<1000x16xf32, #tpu.memory_space<vmem>>
      %dma_start3A_93 = tpu.memref_slice %arg7[%mul3A_88] : memref<10000xi32, #tpu.memory_space<vmem>> -> memref<1000xi32, #tpu.memory_space<vmem>>
      %dma_start3A_94 = arith.constant 0 : i32
      %dma_start3A_95 = arith.constant 0 : i32
      %dma_start3A_96 = tpu.memref_slice %arg10[%dma_start3A_94, %dma_start3A_95] : memref<10240x16xf32, #tpu.memory_space<vmem_shared>> -> memref<10240x16xf32, #tpu.memory_space<vmem_shared>>
      %dma_start3A_97 = tpu.memref_slice %arg16[%rem3A_66] : memref<2x!tpu.dma_semaphore, #tpu.memory_space<semaphore_mem>> -> memref<1x!tpu.dma_semaphore, #tpu.memory_space<semaphore_mem>>
      %dma_start3A_98 = tpu.memref_squeeze %dma_start3A_97 : memref<1x!tpu.dma_semaphore, #tpu.memory_space<semaphore_mem>> -> memref<!tpu.dma_semaphore, #tpu.memory_space<semaphore_mem>>
      tpu.enqueue_indirect_dma source(%dma_start3A_92 : memref<1000x16xf32, #tpu.memory_space<vmem>>) target(%dma_start3A_96 : memref<10240x16xf32, #tpu.memory_space<vmem_shared>>) offsets(%dma_start3A_93 : memref<1000xi32, #tpu.memory_space<vmem>>) semaphore(%dma_start3A_98 : memref<!tpu.dma_semaphore, #tpu.memory_space<semaphore_mem>>) {add = true}
    }
    %scan3A_47 = arith.constant 10 : i32
    %dma_wait3A = arith.constant 1 : i32
    %dma_wait3A_48 = arith.constant 1 : i32
    %dma_wait3A_49 = arith.constant 0 : i32
    %dma_wait3A_50 = arith.constant 0 : i32
    %dma_wait3A_51 = tpu.memref_slice %arg8[%dma_wait3A, %dma_wait3A_49, %dma_wait3A_50] : memref<2x1000x16xf32, #tpu.memory_space<vmem>> -> memref<1x1000x16xf32, #tpu.memory_space<vmem>>
    %dma_wait3A_52 = tpu.memref_squeeze %dma_wait3A_51 : memref<1x1000x16xf32, #tpu.memory_space<vmem>> -> memref<1000x16xf32, #tpu.memory_space<vmem>>
    %dma_wait3A_53 = arith.constant 9000 : i32
    %dma_wait3A_54 = tpu.memref_slice %arg7[%dma_wait3A_53] : memref<10000xi32, #tpu.memory_space<vmem>> -> memref<1000xi32, #tpu.memory_space<vmem>>
    %dma_wait3A_55 = arith.constant 0 : i32
    %dma_wait3A_56 = arith.constant 0 : i32
    %dma_wait3A_57 = tpu.memref_slice %arg10[%dma_wait3A_55, %dma_wait3A_56] : memref<10240x16xf32, #tpu.memory_space<vmem_shared>> -> memref<10240x16xf32, #tpu.memory_space<vmem_shared>>
    %dma_wait3A_58 = tpu.memref_slice %arg16[%dma_wait3A_48] : memref<2x!tpu.dma_semaphore, #tpu.memory_space<semaphore_mem>> -> memref<1x!tpu.dma_semaphore, #tpu.memory_space<semaphore_mem>>
    %dma_wait3A_59 = tpu.memref_squeeze %dma_wait3A_58 : memref<1x!tpu.dma_semaphore, #tpu.memory_space<semaphore_mem>> -> memref<!tpu.dma_semaphore, #tpu.memory_space<semaphore_mem>>
    tpu.wait_indirect_dma semaphore(%dma_wait3A_59 : memref<!tpu.dma_semaphore, #tpu.memory_space<semaphore_mem>>) src(%dma_wait3A_52 : memref<1000x16xf32, #tpu.memory_space<vmem>>) dst(%dma_wait3A_57 : memref<10240x16xf32, #tpu.memory_space<vmem_shared>>)
    %barrier3A_60 = arith.constant 0 : index
    tpu.barrier barrier_id(%barrier3A_60)
    %mul3A_61 = arith.constant 640 : i32
    %mul3A_62 = arith.muli %arg1, %mul3A_61 : i32
    "tpu.region"() ({
      %run_scoped3A_65 = tpu.sem_alloc : memref<!tpu.dma_semaphore, #tpu.memory_space<semaphore_mem>>
      %dma_start3A_66 = arith.constant 0 : i32
      %dma_start3A_67 = tpu.memref_slice %arg10[%mul3A_62, %dma_start3A_66] : memref<10240x16xf32, #tpu.memory_space<vmem_shared>> -> memref<640x16xf32, #tpu.memory_space<vmem_shared>>
      %dma_start3A_68 = arith.constant 0 : i32
      %dma_start3A_69 = tpu.memref_slice %arg10[%mul3A_62, %dma_start3A_68] : memref<10240x16xf32, #tpu.memory_space<vmem_shared>> -> memref<640x16xf32, #tpu.memory_space<vmem_shared>>
      tpu.enqueue_dma source(%dma_start3A_69 : memref<640x16xf32, #tpu.memory_space<vmem_shared>>) target(%arg9 : memref<640x16xf32, #tpu.memory_space<vmem>>) target_semaphore(%run_scoped3A_65 : memref<!tpu.dma_semaphore, #tpu.memory_space<semaphore_mem>>)
      %dma_wait3A_70 = arith.constant 0 : i32
      %dma_wait3A_71 = tpu.memref_slice %arg10[%mul3A_62, %dma_wait3A_70] : memref<10240x16xf32, #tpu.memory_space<vmem_shared>> -> memref<640x16xf32, #tpu.memory_space<vmem_shared>>
      %dma_wait3A_72 = arith.constant 0 : i32
      %dma_wait3A_73 = tpu.memref_slice %arg10[%mul3A_62, %dma_wait3A_72] : memref<10240x16xf32, #tpu.memory_space<vmem_shared>> -> memref<640x16xf32, #tpu.memory_space<vmem_shared>>
      tpu.wait_dma2 semaphore(%run_scoped3A_65 : memref<!tpu.dma_semaphore, #tpu.memory_space<semaphore_mem>>) src(%dma_wait3A_73 : memref<640x16xf32, #tpu.memory_space<vmem_shared>>) dst(%arg9 : memref<640x16xf32, #tpu.memory_space<vmem>>)
      tpu.yield
    }) : () -> ()
    %mul3A_63 = arith.constant 640 : i32
    %mul3A_64 = arith.muli %arg1, %mul3A_63 : i32
    "tpu.region"() ({
      %run_scoped3A_65 = tpu.sem_alloc : memref<!tpu.dma_semaphore, #tpu.memory_space<semaphore_mem>>
      %dma_start3A_66 = arith.constant 0 : i32
      %dma_start3A_67 = tpu.memref_slice %arg5[%arg0, %mul3A_64, %dma_start3A_66] : memref<2x10240x128xf32, #tpu.memory_space<hbm>> -> memref<1x640x16xf32, #tpu.memory_space<hbm>>
      %dma_start3A_68 = tpu.memref_squeeze %dma_start3A_67 : memref<1x640x16xf32, #tpu.memory_space<hbm>> -> memref<640x16xf32, #tpu.memory_space<hbm>>
      %dma_start3A_69 = arith.constant 0 : i32
      %dma_start3A_70 = tpu.memref_slice %arg5[%arg0, %mul3A_64, %dma_start3A_69] : memref<2x10240x128xf32, #tpu.memory_space<hbm>> -> memref<1x640x16xf32, #tpu.memory_space<hbm>>
      %dma_start3A_71 = tpu.memref_squeeze %dma_start3A_70 : memref<1x640x16xf32, #tpu.memory_space<hbm>> -> memref<640x16xf32, #tpu.memory_space<hbm>>
      tpu.enqueue_dma source(%arg9 : memref<640x16xf32, #tpu.memory_space<vmem>>) target(%dma_start3A_71 : memref<640x16xf32, #tpu.memory_space<hbm>>) target_semaphore(%run_scoped3A_65 : memref<!tpu.dma_semaphore, #tpu.memory_space<semaphore_mem>>)
      %dma_wait3A_72 = arith.constant 0 : i32
      %dma_wait3A_73 = tpu.memref_slice %arg5[%arg0, %mul3A_64, %dma_wait3A_72] : memref<2x10240x128xf32, #tpu.memory_space<hbm>> -> memref<1x640x16xf32, #tpu.memory_space<hbm>>
      %dma_wait3A_74 = tpu.memref_squeeze %dma_wait3A_73 : memref<1x640x16xf32, #tpu.memory_space<hbm>> -> memref<640x16xf32, #tpu.memory_space<hbm>>
      %dma_wait3A_75 = arith.constant 0 : i32
      %dma_wait3A_76 = tpu.memref_slice %arg5[%arg0, %mul3A_64, %dma_wait3A_75] : memref<2x10240x128xf32, #tpu.memory_space<hbm>> -> memref<1x640x16xf32, #tpu.memory_space<hbm>>
      %dma_wait3A_77 = tpu.memref_squeeze %dma_wait3A_76 : memref<1x640x16xf32, #tpu.memory_space<hbm>> -> memref<640x16xf32, #tpu.memory_space<hbm>>
      tpu.wait_dma2 semaphore(%run_scoped3A_65 : memref<!tpu.dma_semaphore, #tpu.memory_space<semaphore_mem>>) src(%arg9 : memref<640x16xf32, #tpu.memory_space<vmem>>) dst(%dma_wait3A_77 : memref<640x16xf32, #tpu.memory_space<hbm>>)
      tpu.yield
    }) : () -> ()
    return
  }
}

#map = affine_map<(d0, d1) -> (0, 0)>
#map1 = affine_map<(d0, d1) -> (0, 0, 0)>
module attributes {stable_mosaic.version = 14 : i64} {
  func.func @_agg1_body(%arg0: i32, %arg1: i32, %arg2: memref<10000x128xf32, #tpu.memory_space<hbm>>, %arg3: memref<2x320000xi32, #tpu.memory_space<hbm>>, %arg4: memref<2x10240x16xf32, #tpu.memory_space<hbm>>, %arg5: memref<10000xi32, #tpu.memory_space<vmem>>, %arg6: memref<10000xi32, #tpu.memory_space<vmem>>, %arg7: memref<2x1000x16xf32, #tpu.memory_space<vmem>>, %arg8: memref<640x16xf32, #tpu.memory_space<vmem>>, %arg9: memref<10240x16xf32, #tpu.memory_space<vmem_shared>>, %arg10: memref<10000x16xf32, #tpu.memory_space<vmem_shared>>, %arg11: memref<2x!tpu.dma_semaphore, #tpu.memory_space<semaphore_mem>>, %arg12: memref<2x!tpu.dma_semaphore, #tpu.memory_space<semaphore_mem>>) attributes {dimension_semantics = [#tpu.dimension_semantics<core_parallel>, #tpu.dimension_semantics<subcore_parallel>], iteration_bounds = array<i64: 2, 16>, scalar_prefetch = 0 : i64, scratch_operands = 8 : i64, tpu.core_type = #tpu.core_type<sc_vector_subcore>, window_params = [{transform_indices = #map}, {transform_indices = #map}, {transform_indices = #map1}]} {
    %mul3A = arith.constant 16 : i32
    %mul3A_0 = arith.muli %arg0, %mul3A : i32
    %add3A = arith.addi %mul3A_0, %arg1 : i32
    %mul3A_1 = arith.constant 10000 : i32
    %mul3A_2 = arith.muli %add3A, %mul3A_1 : i32
    %run_scoped3A = arith.constant 0 : i32
    "tpu.region"() ({
      %run_scoped3A_53 = tpu.sem_alloc : memref<!tpu.dma_semaphore, #tpu.memory_space<semaphore_mem>>
      %dma_start3A_54 = tpu.memref_slice %arg3[%run_scoped3A, %mul3A_2] : memref<2x320000xi32, #tpu.memory_space<hbm>> -> memref<1x10000xi32, #tpu.memory_space<hbm>>
      %dma_start3A_55 = tpu.memref_squeeze %dma_start3A_54 : memref<1x10000xi32, #tpu.memory_space<hbm>> -> memref<10000xi32, #tpu.memory_space<hbm>>
      %dma_start3A_56 = tpu.memref_slice %arg3[%run_scoped3A, %mul3A_2] : memref<2x320000xi32, #tpu.memory_space<hbm>> -> memref<1x10000xi32, #tpu.memory_space<hbm>>
      %dma_start3A_57 = tpu.memref_squeeze %dma_start3A_56 : memref<1x10000xi32, #tpu.memory_space<hbm>> -> memref<10000xi32, #tpu.memory_space<hbm>>
      tpu.enqueue_dma source(%dma_start3A_57 : memref<10000xi32, #tpu.memory_space<hbm>>) target(%arg5 : memref<10000xi32, #tpu.memory_space<vmem>>) target_semaphore(%run_scoped3A_53 : memref<!tpu.dma_semaphore, #tpu.memory_space<semaphore_mem>>)
      %dma_wait3A_58 = tpu.memref_slice %arg3[%run_scoped3A, %mul3A_2] : memref<2x320000xi32, #tpu.memory_space<hbm>> -> memref<1x10000xi32, #tpu.memory_space<hbm>>
      %dma_wait3A_59 = tpu.memref_squeeze %dma_wait3A_58 : memref<1x10000xi32, #tpu.memory_space<hbm>> -> memref<10000xi32, #tpu.memory_space<hbm>>
      %dma_wait3A_60 = tpu.memref_slice %arg3[%run_scoped3A, %mul3A_2] : memref<2x320000xi32, #tpu.memory_space<hbm>> -> memref<1x10000xi32, #tpu.memory_space<hbm>>
      %dma_wait3A_61 = tpu.memref_squeeze %dma_wait3A_60 : memref<1x10000xi32, #tpu.memory_space<hbm>> -> memref<10000xi32, #tpu.memory_space<hbm>>
      tpu.wait_dma2 semaphore(%run_scoped3A_53 : memref<!tpu.dma_semaphore, #tpu.memory_space<semaphore_mem>>) src(%dma_wait3A_61 : memref<10000xi32, #tpu.memory_space<hbm>>) dst(%arg5 : memref<10000xi32, #tpu.memory_space<vmem>>)
      tpu.yield
    }) : () -> ()
    %mul3A_3 = arith.constant 10000 : i32
    %mul3A_4 = arith.muli %add3A, %mul3A_3 : i32
    %run_scoped3A_5 = arith.constant 1 : i32
    "tpu.region"() ({
      %run_scoped3A_53 = tpu.sem_alloc : memref<!tpu.dma_semaphore, #tpu.memory_space<semaphore_mem>>
      %dma_start3A_54 = tpu.memref_slice %arg3[%run_scoped3A_5, %mul3A_4] : memref<2x320000xi32, #tpu.memory_space<hbm>> -> memref<1x10000xi32, #tpu.memory_space<hbm>>
      %dma_start3A_55 = tpu.memref_squeeze %dma_start3A_54 : memref<1x10000xi32, #tpu.memory_space<hbm>> -> memref<10000xi32, #tpu.memory_space<hbm>>
      %dma_start3A_56 = tpu.memref_slice %arg3[%run_scoped3A_5, %mul3A_4] : memref<2x320000xi32, #tpu.memory_space<hbm>> -> memref<1x10000xi32, #tpu.memory_space<hbm>>
      %dma_start3A_57 = tpu.memref_squeeze %dma_start3A_56 : memref<1x10000xi32, #tpu.memory_space<hbm>> -> memref<10000xi32, #tpu.memory_space<hbm>>
      tpu.enqueue_dma source(%dma_start3A_57 : memref<10000xi32, #tpu.memory_space<hbm>>) target(%arg6 : memref<10000xi32, #tpu.memory_space<vmem>>) target_semaphore(%run_scoped3A_53 : memref<!tpu.dma_semaphore, #tpu.memory_space<semaphore_mem>>)
      %dma_wait3A_58 = tpu.memref_slice %arg3[%run_scoped3A_5, %mul3A_4] : memref<2x320000xi32, #tpu.memory_space<hbm>> -> memref<1x10000xi32, #tpu.memory_space<hbm>>
      %dma_wait3A_59 = tpu.memref_squeeze %dma_wait3A_58 : memref<1x10000xi32, #tpu.memory_space<hbm>> -> memref<10000xi32, #tpu.memory_space<hbm>>
      %dma_wait3A_60 = tpu.memref_slice %arg3[%run_scoped3A_5, %mul3A_4] : memref<2x320000xi32, #tpu.memory_space<hbm>> -> memref<1x10000xi32, #tpu.memory_space<hbm>>
      %dma_wait3A_61 = tpu.memref_squeeze %dma_wait3A_60 : memref<1x10000xi32, #tpu.memory_space<hbm>> -> memref<10000xi32, #tpu.memory_space<hbm>>
      tpu.wait_dma2 semaphore(%run_scoped3A_53 : memref<!tpu.dma_semaphore, #tpu.memory_space<semaphore_mem>>) src(%dma_wait3A_61 : memref<10000xi32, #tpu.memory_space<hbm>>) dst(%arg6 : memref<10000xi32, #tpu.memory_space<vmem>>)
      tpu.yield
    }) : () -> ()
    %broadcast_in_dim3A = arith.constant 0.000000e+00 : f32
    %broadcast_in_dim3A_6 = vector.broadcast %broadcast_in_dim3A : f32 to vector<16xf32>
    %scan3A = arith.constant 0 : i32
    %scan3A_7 = arith.constant 0 : i32
    %scan3A_8 = arith.constant 40 : i32
    %scan3A_9 = arith.addi %scan3A_7, %scan3A_8 : i32
    %scan3A_10 = arith.constant 1 : i32
    scf.for %scan3A_53 = %scan3A_7 to %scan3A_9 step %scan3A_10  : i32 {
      %mul3A_54 = arith.constant 16 : i32
      %mul3A_55 = arith.muli %scan3A_53, %mul3A_54 : i32
      %add3A_56 = arith.constant 0 : i32
      %add3A_57 = arith.addi %mul3A_55, %add3A_56 : i32
      %swap3A = arith.index_cast %add3A_57 : i32 to index
      %swap3A_58 = arith.constant 0 : index
      %swap3A_59 = tpu.vector_load %arg8[%swap3A, %swap3A_58] {strides = array<i32>} : memref<640x16xf32, #tpu.memory_space<vmem>>, vector<1x16xf32>,
      %swap3A_60 = vector.shape_cast %swap3A_59 : vector<1x16xf32> to vector<16xf32>
      %swap3A_61 = vector.shape_cast %broadcast_in_dim3A_6 : vector<16xf32> to vector<1x16xf32>
      tpu.vector_store %arg8[%swap3A, %swap3A_58], %swap3A_61 {strides = array<i32>} : memref<640x16xf32, #tpu.memory_space<vmem>>, vector<1x16xf32>,
      %mul3A_62 = arith.constant 16 : i32
      %mul3A_63 = arith.muli %scan3A_53, %mul3A_62 : i32
      %add3A_64 = arith.constant 1 : i32
      %add3A_65 = arith.addi %mul3A_63, %add3A_64 : i32
      %swap3A_66 = arith.index_cast %add3A_65 : i32 to index
      %swap3A_67 = arith.constant 0 : index
      %swap3A_68 = tpu.vector_load %arg8[%swap3A_66, %swap3A_67] {strides = array<i32>} : memref<640x16xf32, #tpu.memory_space<vmem>>, vector<1x16xf32>,
      %swap3A_69 = vector.shape_cast %swap3A_68 : vector<1x16xf32> to vector<16xf32>
      %swap3A_70 = vector.shape_cast %broadcast_in_dim3A_6 : vector<16xf32> to vector<1x16xf32>
      tpu.vector_store %arg8[%swap3A_66, %swap3A_67], %swap3A_70 {strides = array<i32>} : memref<640x16xf32, #tpu.memory_space<vmem>>, vector<1x16xf32>,
      %mul3A_71 = arith.constant 16 : i32
      %mul3A_72 = arith.muli %scan3A_53, %mul3A_71 : i32
      %add3A_73 = arith.constant 2 : i32
      %add3A_74 = arith.addi %mul3A_72, %add3A_73 : i32
      %swap3A_75 = arith.index_cast %add3A_74 : i32 to index
      %swap3A_76 = arith.constant 0 : index
      %swap3A_77 = tpu.vector_load %arg8[%swap3A_75, %swap3A_76] {strides = array<i32>} : memref<640x16xf32, #tpu.memory_space<vmem>>, vector<1x16xf32>,
      %swap3A_78 = vector.shape_cast %swap3A_77 : vector<1x16xf32> to vector<16xf32>
      %swap3A_79 = vector.shape_cast %broadcast_in_dim3A_6 : vector<16xf32> to vector<1x16xf32>
      tpu.vector_store %arg8[%swap3A_75, %swap3A_76], %swap3A_79 {strides = array<i32>} : memref<640x16xf32, #tpu.memory_space<vmem>>, vector<1x16xf32>,
      %mul3A_80 = arith.constant 16 : i32
      %mul3A_81 = arith.muli %scan3A_53, %mul3A_80 : i32
      %add3A_82 = arith.constant 3 : i32
      %add3A_83 = arith.addi %mul3A_81, %add3A_82 : i32
      %swap3A_84 = arith.index_cast %add3A_83 : i32 to index
      %swap3A_85 = arith.constant 0 : index
      %swap3A_86 = tpu.vector_load %arg8[%swap3A_84, %swap3A_85] {strides = array<i32>} : memref<640x16xf32, #tpu.memory_space<vmem>>, vector<1x16xf32>,
      %swap3A_87 = vector.shape_cast %swap3A_86 : vector<1x16xf32> to vector<16xf32>
      %swap3A_88 = vector.shape_cast %broadcast_in_dim3A_6 : vector<16xf32> to vector<1x16xf32>
      tpu.vector_store %arg8[%swap3A_84, %swap3A_85], %swap3A_88 {strides = array<i32>} : memref<640x16xf32, #tpu.memory_space<vmem>>, vector<1x16xf32>,
      %mul3A_89 = arith.constant 16 : i32
      %mul3A_90 = arith.muli %scan3A_53, %mul3A_89 : i32
      %add3A_91 = arith.constant 4 : i32
      %add3A_92 = arith.addi %mul3A_90, %add3A_91 : i32
      %swap3A_93 = arith.index_cast %add3A_92 : i32 to index
      %swap3A_94 = arith.constant 0 : index
      %swap3A_95 = tpu.vector_load %arg8[%swap3A_93, %swap3A_94] {strides = array<i32>} : memref<640x16xf32, #tpu.memory_space<vmem>>, vector<1x16xf32>,
      %swap3A_96 = vector.shape_cast %swap3A_95 : vector<1x16xf32> to vector<16xf32>
      %swap3A_97 = vector.shape_cast %broadcast_in_dim3A_6 : vector<16xf32> to vector<1x16xf32>
      tpu.vector_store %arg8[%swap3A_93, %swap3A_94], %swap3A_97 {strides = array<i32>} : memref<640x16xf32, #tpu.memory_space<vmem>>, vector<1x16xf32>,
      %mul3A_98 = arith.constant 16 : i32
      %mul3A_99 = arith.muli %scan3A_53, %mul3A_98 : i32
      %add3A_100 = arith.constant 5 : i32
      %add3A_101 = arith.addi %mul3A_99, %add3A_100 : i32
      %swap3A_102 = arith.index_cast %add3A_101 : i32 to index
      %swap3A_103 = arith.constant 0 : index
      %swap3A_104 = tpu.vector_load %arg8[%swap3A_102, %swap3A_103] {strides = array<i32>} : memref<640x16xf32, #tpu.memory_space<vmem>>, vector<1x16xf32>,
      %swap3A_105 = vector.shape_cast %swap3A_104 : vector<1x16xf32> to vector<16xf32>
      %swap3A_106 = vector.shape_cast %broadcast_in_dim3A_6 : vector<16xf32> to vector<1x16xf32>
      tpu.vector_store %arg8[%swap3A_102, %swap3A_103], %swap3A_106 {strides = array<i32>} : memref<640x16xf32, #tpu.memory_space<vmem>>, vector<1x16xf32>,
      %mul3A_107 = arith.constant 16 : i32
      %mul3A_108 = arith.muli %scan3A_53, %mul3A_107 : i32
      %add3A_109 = arith.constant 6 : i32
      %add3A_110 = arith.addi %mul3A_108, %add3A_109 : i32
      %swap3A_111 = arith.index_cast %add3A_110 : i32 to index
      %swap3A_112 = arith.constant 0 : index
      %swap3A_113 = tpu.vector_load %arg8[%swap3A_111, %swap3A_112] {strides = array<i32>} : memref<640x16xf32, #tpu.memory_space<vmem>>, vector<1x16xf32>,
      %swap3A_114 = vector.shape_cast %swap3A_113 : vector<1x16xf32> to vector<16xf32>
      %swap3A_115 = vector.shape_cast %broadcast_in_dim3A_6 : vector<16xf32> to vector<1x16xf32>
      tpu.vector_store %arg8[%swap3A_111, %swap3A_112], %swap3A_115 {strides = array<i32>} : memref<640x16xf32, #tpu.memory_space<vmem>>, vector<1x16xf32>,
      %mul3A_116 = arith.constant 16 : i32
      %mul3A_117 = arith.muli %scan3A_53, %mul3A_116 : i32
      %add3A_118 = arith.constant 7 : i32
      %add3A_119 = arith.addi %mul3A_117, %add3A_118 : i32
      %swap3A_120 = arith.index_cast %add3A_119 : i32 to index
      %swap3A_121 = arith.constant 0 : index
      %swap3A_122 = tpu.vector_load %arg8[%swap3A_120, %swap3A_121] {strides = array<i32>} : memref<640x16xf32, #tpu.memory_space<vmem>>, vector<1x16xf32>,
      %swap3A_123 = vector.shape_cast %swap3A_122 : vector<1x16xf32> to vector<16xf32>
      %swap3A_124 = vector.shape_cast %broadcast_in_dim3A_6 : vector<16xf32> to vector<1x16xf32>
      tpu.vector_store %arg8[%swap3A_120, %swap3A_121], %swap3A_124 {strides = array<i32>} : memref<640x16xf32, #tpu.memory_space<vmem>>, vector<1x16xf32>,
      %mul3A_125 = arith.constant 16 : i32
      %mul3A_126 = arith.muli %scan3A_53, %mul3A_125 : i32
      %add3A_127 = arith.constant 8 : i32
      %add3A_128 = arith.addi %mul3A_126, %add3A_127 : i32
      %swap3A_129 = arith.index_cast %add3A_128 : i32 to index
      %swap3A_130 = arith.constant 0 : index
      %swap3A_131 = tpu.vector_load %arg8[%swap3A_129, %swap3A_130] {strides = array<i32>} : memref<640x16xf32, #tpu.memory_space<vmem>>, vector<1x16xf32>,
      %swap3A_132 = vector.shape_cast %swap3A_131 : vector<1x16xf32> to vector<16xf32>
      %swap3A_133 = vector.shape_cast %broadcast_in_dim3A_6 : vector<16xf32> to vector<1x16xf32>
      tpu.vector_store %arg8[%swap3A_129, %swap3A_130], %swap3A_133 {strides = array<i32>} : memref<640x16xf32, #tpu.memory_space<vmem>>, vector<1x16xf32>,
      %mul3A_134 = arith.constant 16 : i32
      %mul3A_135 = arith.muli %scan3A_53, %mul3A_134 : i32
      %add3A_136 = arith.constant 9 : i32
      %add3A_137 = arith.addi %mul3A_135, %add3A_136 : i32
      %swap3A_138 = arith.index_cast %add3A_137 : i32 to index
      %swap3A_139 = arith.constant 0 : index
      %swap3A_140 = tpu.vector_load %arg8[%swap3A_138, %swap3A_139] {strides = array<i32>} : memref<640x16xf32, #tpu.memory_space<vmem>>, vector<1x16xf32>,
      %swap3A_141 = vector.shape_cast %swap3A_140 : vector<1x16xf32> to vector<16xf32>
      %swap3A_142 = vector.shape_cast %broadcast_in_dim3A_6 : vector<16xf32> to vector<1x16xf32>
      tpu.vector_store %arg8[%swap3A_138, %swap3A_139], %swap3A_142 {strides = array<i32>} : memref<640x16xf32, #tpu.memory_space<vmem>>, vector<1x16xf32>,
      %mul3A_143 = arith.constant 16 : i32
      %mul3A_144 = arith.muli %scan3A_53, %mul3A_143 : i32
      %add3A_145 = arith.constant 10 : i32
      %add3A_146 = arith.addi %mul3A_144, %add3A_145 : i32
      %swap3A_147 = arith.index_cast %add3A_146 : i32 to index
      %swap3A_148 = arith.constant 0 : index
      %swap3A_149 = tpu.vector_load %arg8[%swap3A_147, %swap3A_148] {strides = array<i32>} : memref<640x16xf32, #tpu.memory_space<vmem>>, vector<1x16xf32>,
      %swap3A_150 = vector.shape_cast %swap3A_149 : vector<1x16xf32> to vector<16xf32>
      %swap3A_151 = vector.shape_cast %broadcast_in_dim3A_6 : vector<16xf32> to vector<1x16xf32>
      tpu.vector_store %arg8[%swap3A_147, %swap3A_148], %swap3A_151 {strides = array<i32>} : memref<640x16xf32, #tpu.memory_space<vmem>>, vector<1x16xf32>,
      %mul3A_152 = arith.constant 16 : i32
      %mul3A_153 = arith.muli %scan3A_53, %mul3A_152 : i32
      %add3A_154 = arith.constant 11 : i32
      %add3A_155 = arith.addi %mul3A_153, %add3A_154 : i32
      %swap3A_156 = arith.index_cast %add3A_155 : i32 to index
      %swap3A_157 = arith.constant 0 : index
      %swap3A_158 = tpu.vector_load %arg8[%swap3A_156, %swap3A_157] {strides = array<i32>} : memref<640x16xf32, #tpu.memory_space<vmem>>, vector<1x16xf32>,
      %swap3A_159 = vector.shape_cast %swap3A_158 : vector<1x16xf32> to vector<16xf32>
      %swap3A_160 = vector.shape_cast %broadcast_in_dim3A_6 : vector<16xf32> to vector<1x16xf32>
      tpu.vector_store %arg8[%swap3A_156, %swap3A_157], %swap3A_160 {strides = array<i32>} : memref<640x16xf32, #tpu.memory_space<vmem>>, vector<1x16xf32>,
      %mul3A_161 = arith.constant 16 : i32
      %mul3A_162 = arith.muli %scan3A_53, %mul3A_161 : i32
      %add3A_163 = arith.constant 12 : i32
      %add3A_164 = arith.addi %mul3A_162, %add3A_163 : i32
      %swap3A_165 = arith.index_cast %add3A_164 : i32 to index
      %swap3A_166 = arith.constant 0 : index
      %swap3A_167 = tpu.vector_load %arg8[%swap3A_165, %swap3A_166] {strides = array<i32>} : memref<640x16xf32, #tpu.memory_space<vmem>>, vector<1x16xf32>,
      %swap3A_168 = vector.shape_cast %swap3A_167 : vector<1x16xf32> to vector<16xf32>
      %swap3A_169 = vector.shape_cast %broadcast_in_dim3A_6 : vector<16xf32> to vector<1x16xf32>
      tpu.vector_store %arg8[%swap3A_165, %swap3A_166], %swap3A_169 {strides = array<i32>} : memref<640x16xf32, #tpu.memory_space<vmem>>, vector<1x16xf32>,
      %mul3A_170 = arith.constant 16 : i32
      %mul3A_171 = arith.muli %scan3A_53, %mul3A_170 : i32
      %add3A_172 = arith.constant 13 : i32
      %add3A_173 = arith.addi %mul3A_171, %add3A_172 : i32
      %swap3A_174 = arith.index_cast %add3A_173 : i32 to index
      %swap3A_175 = arith.constant 0 : index
      %swap3A_176 = tpu.vector_load %arg8[%swap3A_174, %swap3A_175] {strides = array<i32>} : memref<640x16xf32, #tpu.memory_space<vmem>>, vector<1x16xf32>,
      %swap3A_177 = vector.shape_cast %swap3A_176 : vector<1x16xf32> to vector<16xf32>
      %swap3A_178 = vector.shape_cast %broadcast_in_dim3A_6 : vector<16xf32> to vector<1x16xf32>
      tpu.vector_store %arg8[%swap3A_174, %swap3A_175], %swap3A_178 {strides = array<i32>} : memref<640x16xf32, #tpu.memory_space<vmem>>, vector<1x16xf32>,
      %mul3A_179 = arith.constant 16 : i32
      %mul3A_180 = arith.muli %scan3A_53, %mul3A_179 : i32
      %add3A_181 = arith.constant 14 : i32
      %add3A_182 = arith.addi %mul3A_180, %add3A_181 : i32
      %swap3A_183 = arith.index_cast %add3A_182 : i32 to index
      %swap3A_184 = arith.constant 0 : index
      %swap3A_185 = tpu.vector_load %arg8[%swap3A_183, %swap3A_184] {strides = array<i32>} : memref<640x16xf32, #tpu.memory_space<vmem>>, vector<1x16xf32>,
      %swap3A_186 = vector.shape_cast %swap3A_185 : vector<1x16xf32> to vector<16xf32>
      %swap3A_187 = vector.shape_cast %broadcast_in_dim3A_6 : vector<16xf32> to vector<1x16xf32>
      tpu.vector_store %arg8[%swap3A_183, %swap3A_184], %swap3A_187 {strides = array<i32>} : memref<640x16xf32, #tpu.memory_space<vmem>>, vector<1x16xf32>,
      %mul3A_188 = arith.constant 16 : i32
      %mul3A_189 = arith.muli %scan3A_53, %mul3A_188 : i32
      %add3A_190 = arith.constant 15 : i32
      %add3A_191 = arith.addi %mul3A_189, %add3A_190 : i32
      %swap3A_192 = arith.index_cast %add3A_191 : i32 to index
      %swap3A_193 = arith.constant 0 : index
      %swap3A_194 = tpu.vector_load %arg8[%swap3A_192, %swap3A_193] {strides = array<i32>} : memref<640x16xf32, #tpu.memory_space<vmem>>, vector<1x16xf32>,
      %swap3A_195 = vector.shape_cast %swap3A_194 : vector<1x16xf32> to vector<16xf32>
      %swap3A_196 = vector.shape_cast %broadcast_in_dim3A_6 : vector<16xf32> to vector<1x16xf32>
      tpu.vector_store %arg8[%swap3A_192, %swap3A_193], %swap3A_196 {strides = array<i32>} : memref<640x16xf32, #tpu.memory_space<vmem>>, vector<1x16xf32>,
    }
    %scan3A_11 = arith.constant 40 : i32
    %mul3A_12 = arith.constant 640 : i32
    %mul3A_13 = arith.muli %arg1, %mul3A_12 : i32
    "tpu.region"() ({
      %run_scoped3A_53 = tpu.sem_alloc : memref<!tpu.dma_semaphore, #tpu.memory_space<semaphore_mem>>
      %dma_start3A_54 = arith.constant 0 : i32
      %dma_start3A_55 = tpu.memref_slice %arg9[%mul3A_13, %dma_start3A_54] : memref<10240x16xf32, #tpu.memory_space<vmem_shared>> -> memref<640x16xf32, #tpu.memory_space<vmem_shared>>
      %dma_start3A_56 = arith.constant 0 : i32
      %dma_start3A_57 = tpu.memref_slice %arg9[%mul3A_13, %dma_start3A_56] : memref<10240x16xf32, #tpu.memory_space<vmem_shared>> -> memref<640x16xf32, #tpu.memory_space<vmem_shared>>
      tpu.enqueue_dma source(%arg8 : memref<640x16xf32, #tpu.memory_space<vmem>>) target(%dma_start3A_57 : memref<640x16xf32, #tpu.memory_space<vmem_shared>>) target_semaphore(%run_scoped3A_53 : memref<!tpu.dma_semaphore, #tpu.memory_space<semaphore_mem>>)
      %dma_wait3A_58 = arith.constant 0 : i32
      %dma_wait3A_59 = tpu.memref_slice %arg9[%mul3A_13, %dma_wait3A_58] : memref<10240x16xf32, #tpu.memory_space<vmem_shared>> -> memref<640x16xf32, #tpu.memory_space<vmem_shared>>
      %dma_wait3A_60 = arith.constant 0 : i32
      %dma_wait3A_61 = tpu.memref_slice %arg9[%mul3A_13, %dma_wait3A_60] : memref<10240x16xf32, #tpu.memory_space<vmem_shared>> -> memref<640x16xf32, #tpu.memory_space<vmem_shared>>
      tpu.wait_dma2 semaphore(%run_scoped3A_53 : memref<!tpu.dma_semaphore, #tpu.memory_space<semaphore_mem>>) src(%arg8 : memref<640x16xf32, #tpu.memory_space<vmem>>) dst(%dma_wait3A_61 : memref<640x16xf32, #tpu.memory_space<vmem_shared>>)
      tpu.yield
    }) : () -> ()
    %mul3A_14 = arith.constant 625 : i32
    %mul3A_15 = arith.muli %arg1, %mul3A_14 : i32
    %mul3A_16 = arith.constant 625 : i32
    %mul3A_17 = arith.muli %arg1, %mul3A_16 : i32
    "tpu.region"() ({
      %run_scoped3A_53 = tpu.sem_alloc : memref<!tpu.dma_semaphore, #tpu.memory_space<semaphore_mem>>
      %dma_start3A_54 = arith.constant 0 : i32
      %dma_start3A_55 = tpu.memref_slice %arg10[%mul3A_17, %dma_start3A_54] : memref<10000x16xf32, #tpu.memory_space<vmem_shared>> -> memref<625x16xf32, #tpu.memory_space<vmem_shared>>
      %dma_start3A_56 = arith.constant 0 : i32
      %dma_start3A_57 = tpu.memref_slice %arg2[%mul3A_15, %dma_start3A_56] : memref<10000x128xf32, #tpu.memory_space<hbm>> -> memref<625x16xf32, #tpu.memory_space<hbm>>
      tpu.enqueue_dma source(%dma_start3A_57 : memref<625x16xf32, #tpu.memory_space<hbm>>) target(%dma_start3A_55 : memref<625x16xf32, #tpu.memory_space<vmem_shared>>) target_semaphore(%run_scoped3A_53 : memref<!tpu.dma_semaphore, #tpu.memory_space<semaphore_mem>>)
      %dma_wait3A_58 = arith.constant 0 : i32
      %dma_wait3A_59 = tpu.memref_slice %arg10[%mul3A_17, %dma_wait3A_58] : memref<10000x16xf32, #tpu.memory_space<vmem_shared>> -> memref<625x16xf32, #tpu.memory_space<vmem_shared>>
      %dma_wait3A_60 = arith.constant 0 : i32
      %dma_wait3A_61 = tpu.memref_slice %arg2[%mul3A_15, %dma_wait3A_60] : memref<10000x128xf32, #tpu.memory_space<hbm>> -> memref<625x16xf32, #tpu.memory_space<hbm>>
      tpu.wait_dma2 semaphore(%run_scoped3A_53 : memref<!tpu.dma_semaphore, #tpu.memory_space<semaphore_mem>>) src(%dma_wait3A_61 : memref<625x16xf32, #tpu.memory_space<hbm>>) dst(%dma_wait3A_59 : memref<625x16xf32, #tpu.memory_space<vmem_shared>>)
      tpu.yield
    }) : () -> ()
    %barrier3A = arith.constant 0 : index
    tpu.barrier barrier_id(%barrier3A)
    %dma_start3A = arith.constant 0 : i32
    %dma_start3A_18 = arith.constant 0 : i32
    %dma_start3A_19 = arith.constant 0 : i32
    %dma_start3A_20 = arith.constant 0 : i32
    %dma_start3A_21 = tpu.memref_slice %arg7[%dma_start3A, %dma_start3A_19, %dma_start3A_20] : memref<2x1000x16xf32, #tpu.memory_space<vmem>> -> memref<1x1000x16xf32, #tpu.memory_space<vmem>>
    %dma_start3A_22 = tpu.memref_squeeze %dma_start3A_21 : memref<1x1000x16xf32, #tpu.memory_space<vmem>> -> memref<1000x16xf32, #tpu.memory_space<vmem>>
    %dma_start3A_23 = arith.constant 0 : i32
    %dma_start3A_24 = tpu.memref_slice %arg5[%dma_start3A_23] : memref<10000xi32, #tpu.memory_space<vmem>> -> memref<1000xi32, #tpu.memory_space<vmem>>
    %dma_start3A_25 = arith.constant 0 : i32
    %dma_start3A_26 = arith.constant 0 : i32
    %dma_start3A_27 = tpu.memref_slice %arg10[%dma_start3A_25, %dma_start3A_26] : memref<10000x16xf32, #tpu.memory_space<vmem_shared>> -> memref<10000x16xf32, #tpu.memory_space<vmem_shared>>
    %dma_start3A_28 = tpu.memref_slice %arg11[%dma_start3A_18] : memref<2x!tpu.dma_semaphore, #tpu.memory_space<semaphore_mem>> -> memref<1x!tpu.dma_semaphore, #tpu.memory_space<semaphore_mem>>
    %dma_start3A_29 = tpu.memref_squeeze %dma_start3A_28 : memref<1x!tpu.dma_semaphore, #tpu.memory_space<semaphore_mem>> -> memref<!tpu.dma_semaphore, #tpu.memory_space<semaphore_mem>>
    tpu.enqueue_indirect_dma source(%dma_start3A_27 : memref<10000x16xf32, #tpu.memory_space<vmem_shared>>) target(%dma_start3A_22 : memref<1000x16xf32, #tpu.memory_space<vmem>>) offsets(%dma_start3A_24 : memref<1000xi32, #tpu.memory_space<vmem>>) semaphore(%dma_start3A_29 : memref<!tpu.dma_semaphore, #tpu.memory_space<semaphore_mem>>)
    %scan3A_30 = arith.constant 0 : i32
    %scan3A_31 = arith.constant 0 : i32
    %scan3A_32 = arith.constant 10 : i32
    %scan3A_33 = arith.addi %scan3A_31, %scan3A_32 : i32
    %scan3A_34 = arith.constant 1 : i32
    scf.for %scan3A_53 = %scan3A_31 to %scan3A_33 step %scan3A_34  : i32 {
      %rem3A = arith.constant 2 : i32
      %rem3A_54 = arith.remsi %scan3A_53, %rem3A : i32
      %mul3A_55 = arith.constant 1000 : i32
      %mul3A_56 = arith.muli %scan3A_53, %mul3A_55 : i32
      %dma_wait3A_57 = arith.constant 0 : i32
      %dma_wait3A_58 = arith.constant 0 : i32
      %dma_wait3A_59 = tpu.memref_slice %arg7[%rem3A_54, %dma_wait3A_57, %dma_wait3A_58] : memref<2x1000x16xf32, #tpu.memory_space<vmem>> -> memref<1x1000x16xf32, #tpu.memory_space<vmem>>
      %dma_wait3A_60 = tpu.memref_squeeze %dma_wait3A_59 : memref<1x1000x16xf32, #tpu.memory_space<vmem>> -> memref<1000x16xf32, #tpu.memory_space<vmem>>
      %dma_wait3A_61 = tpu.memref_slice %arg5[%mul3A_56] : memref<10000xi32, #tpu.memory_space<vmem>> -> memref<1000xi32, #tpu.memory_space<vmem>>
      %dma_wait3A_62 = arith.constant 0 : i32
      %dma_wait3A_63 = arith.constant 0 : i32
      %dma_wait3A_64 = tpu.memref_slice %arg10[%dma_wait3A_62, %dma_wait3A_63] : memref<10000x16xf32, #tpu.memory_space<vmem_shared>> -> memref<10000x16xf32, #tpu.memory_space<vmem_shared>>
      %dma_wait3A_65 = tpu.memref_slice %arg11[%rem3A_54] : memref<2x!tpu.dma_semaphore, #tpu.memory_space<semaphore_mem>> -> memref<1x!tpu.dma_semaphore, #tpu.memory_space<semaphore_mem>>
      %dma_wait3A_66 = tpu.memref_squeeze %dma_wait3A_65 : memref<1x!tpu.dma_semaphore, #tpu.memory_space<semaphore_mem>> -> memref<!tpu.dma_semaphore, #tpu.memory_space<semaphore_mem>>
      tpu.wait_indirect_dma semaphore(%dma_wait3A_66 : memref<!tpu.dma_semaphore, #tpu.memory_space<semaphore_mem>>) src(%dma_wait3A_64 : memref<10000x16xf32, #tpu.memory_space<vmem_shared>>) dst(%dma_wait3A_60 : memref<1000x16xf32, #tpu.memory_space<vmem>>)
      %ge3A = arith.constant 1 : i32
      %ge3A_67 = arith.cmpi sge, %scan3A_53, %ge3A : i32
      %convert_element_type3A = arith.extui %ge3A_67 : i1 to i32
      %cond3A = arith.constant 0 : i32
      %cond3A_68 = arith.cmpi ne, %convert_element_type3A, %cond3A : i32
      scf.if %cond3A_68 {
        %sub3A = arith.constant 1 : i32
        %sub3A_87 = arith.subi %scan3A_53, %sub3A : i32
        %sub3A_88 = arith.constant 1 : i32
        %sub3A_89 = arith.subi %sub3A_88, %rem3A_54 : i32
        %mul3A_90 = arith.constant 1000 : i32
        %mul3A_91 = arith.muli %sub3A_87, %mul3A_90 : i32
        %dma_wait3A_92 = arith.constant 0 : i32
        %dma_wait3A_93 = arith.constant 0 : i32
        %dma_wait3A_94 = tpu.memref_slice %arg7[%sub3A_89, %dma_wait3A_92, %dma_wait3A_93] : memref<2x1000x16xf32, #tpu.memory_space<vmem>> -> memref<1x1000x16xf32, #tpu.memory_space<vmem>>
        %dma_wait3A_95 = tpu.memref_squeeze %dma_wait3A_94 : memref<1x1000x16xf32, #tpu.memory_space<vmem>> -> memref<1000x16xf32, #tpu.memory_space<vmem>>
        %dma_wait3A_96 = tpu.memref_slice %arg6[%mul3A_91] : memref<10000xi32, #tpu.memory_space<vmem>> -> memref<1000xi32, #tpu.memory_space<vmem>>
        %dma_wait3A_97 = arith.constant 0 : i32
        %dma_wait3A_98 = arith.constant 0 : i32
        %dma_wait3A_99 = tpu.memref_slice %arg9[%dma_wait3A_97, %dma_wait3A_98] : memref<10240x16xf32, #tpu.memory_space<vmem_shared>> -> memref<10240x16xf32, #tpu.memory_space<vmem_shared>>
        %dma_wait3A_100 = tpu.memref_slice %arg12[%sub3A_89] : memref<2x!tpu.dma_semaphore, #tpu.memory_space<semaphore_mem>> -> memref<1x!tpu.dma_semaphore, #tpu.memory_space<semaphore_mem>>
        %dma_wait3A_101 = tpu.memref_squeeze %dma_wait3A_100 : memref<1x!tpu.dma_semaphore, #tpu.memory_space<semaphore_mem>> -> memref<!tpu.dma_semaphore, #tpu.memory_space<semaphore_mem>>
        tpu.wait_indirect_dma semaphore(%dma_wait3A_101 : memref<!tpu.dma_semaphore, #tpu.memory_space<semaphore_mem>>) src(%dma_wait3A_95 : memref<1000x16xf32, #tpu.memory_space<vmem>>) dst(%dma_wait3A_99 : memref<10240x16xf32, #tpu.memory_space<vmem_shared>>)
      } else {
      }
      %add3A_69 = arith.constant 1 : i32
      %add3A_70 = arith.addi %scan3A_53, %add3A_69 : i32
      %lt3A = arith.constant 10 : i32
      %lt3A_71 = arith.cmpi slt, %add3A_70, %lt3A : i32
      %convert_element_type3A_72 = arith.extui %lt3A_71 : i1 to i32
      %cond3A_73 = arith.constant 0 : i32
      %cond3A_74 = arith.cmpi ne, %convert_element_type3A_72, %cond3A_73 : i32
      scf.if %cond3A_74 {
        %add3A_87 = arith.constant 1 : i32
        %add3A_88 = arith.addi %scan3A_53, %add3A_87 : i32
        %sub3A = arith.constant 1 : i32
        %sub3A_89 = arith.subi %sub3A, %rem3A_54 : i32
        %mul3A_90 = arith.constant 1000 : i32
        %mul3A_91 = arith.muli %add3A_88, %mul3A_90 : i32
        %dma_start3A_92 = arith.constant 0 : i32
        %dma_start3A_93 = arith.constant 0 : i32
        %dma_start3A_94 = tpu.memref_slice %arg7[%sub3A_89, %dma_start3A_92, %dma_start3A_93] : memref<2x1000x16xf32, #tpu.memory_space<vmem>> -> memref<1x1000x16xf32, #tpu.memory_space<vmem>>
        %dma_start3A_95 = tpu.memref_squeeze %dma_start3A_94 : memref<1x1000x16xf32, #tpu.memory_space<vmem>> -> memref<1000x16xf32, #tpu.memory_space<vmem>>
        %dma_start3A_96 = tpu.memref_slice %arg5[%mul3A_91] : memref<10000xi32, #tpu.memory_space<vmem>> -> memref<1000xi32, #tpu.memory_space<vmem>>
        %dma_start3A_97 = arith.constant 0 : i32
        %dma_start3A_98 = arith.constant 0 : i32
        %dma_start3A_99 = tpu.memref_slice %arg10[%dma_start3A_97, %dma_start3A_98] : memref<10000x16xf32, #tpu.memory_space<vmem_shared>> -> memref<10000x16xf32, #tpu.memory_space<vmem_shared>>
        %dma_start3A_100 = tpu.memref_slice %arg11[%sub3A_89] : memref<2x!tpu.dma_semaphore, #tpu.memory_space<semaphore_mem>> -> memref<1x!tpu.dma_semaphore, #tpu.memory_space<semaphore_mem>>
        %dma_start3A_101 = tpu.memref_squeeze %dma_start3A_100 : memref<1x!tpu.dma_semaphore, #tpu.memory_space<semaphore_mem>> -> memref<!tpu.dma_semaphore, #tpu.memory_space<semaphore_mem>>
        tpu.enqueue_indirect_dma source(%dma_start3A_99 : memref<10000x16xf32, #tpu.memory_space<vmem_shared>>) target(%dma_start3A_95 : memref<1000x16xf32, #tpu.memory_space<vmem>>) offsets(%dma_start3A_96 : memref<1000xi32, #tpu.memory_space<vmem>>) semaphore(%dma_start3A_101 : memref<!tpu.dma_semaphore, #tpu.memory_space<semaphore_mem>>)
      } else {
      }
      %mul3A_75 = arith.constant 1000 : i32
      %mul3A_76 = arith.muli %scan3A_53, %mul3A_75 : i32
      %dma_start3A_77 = arith.constant 0 : i32
      %dma_start3A_78 = arith.constant 0 : i32
      %dma_start3A_79 = tpu.memref_slice %arg7[%rem3A_54, %dma_start3A_77, %dma_start3A_78] : memref<2x1000x16xf32, #tpu.memory_space<vmem>> -> memref<1x1000x16xf32, #tpu.memory_space<vmem>>
      %dma_start3A_80 = tpu.memref_squeeze %dma_start3A_79 : memref<1x1000x16xf32, #tpu.memory_space<vmem>> -> memref<1000x16xf32, #tpu.memory_space<vmem>>
      %dma_start3A_81 = tpu.memref_slice %arg6[%mul3A_76] : memref<10000xi32, #tpu.memory_space<vmem>> -> memref<1000xi32, #tpu.memory_space<vmem>>
      %dma_start3A_82 = arith.constant 0 : i32
      %dma_start3A_83 = arith.constant 0 : i32
      %dma_start3A_84 = tpu.memref_slice %arg9[%dma_start3A_82, %dma_start3A_83] : memref<10240x16xf32, #tpu.memory_space<vmem_shared>> -> memref<10240x16xf32, #tpu.memory_space<vmem_shared>>
      %dma_start3A_85 = tpu.memref_slice %arg12[%rem3A_54] : memref<2x!tpu.dma_semaphore, #tpu.memory_space<semaphore_mem>> -> memref<1x!tpu.dma_semaphore, #tpu.memory_space<semaphore_mem>>
      %dma_start3A_86 = tpu.memref_squeeze %dma_start3A_85 : memref<1x!tpu.dma_semaphore, #tpu.memory_space<semaphore_mem>> -> memref<!tpu.dma_semaphore, #tpu.memory_space<semaphore_mem>>
      tpu.enqueue_indirect_dma source(%dma_start3A_80 : memref<1000x16xf32, #tpu.memory_space<vmem>>) target(%dma_start3A_84 : memref<10240x16xf32, #tpu.memory_space<vmem_shared>>) offsets(%dma_start3A_81 : memref<1000xi32, #tpu.memory_space<vmem>>) semaphore(%dma_start3A_86 : memref<!tpu.dma_semaphore, #tpu.memory_space<semaphore_mem>>) {add = true}
    }
    %scan3A_35 = arith.constant 10 : i32
    %dma_wait3A = arith.constant 1 : i32
    %dma_wait3A_36 = arith.constant 1 : i32
    %dma_wait3A_37 = arith.constant 0 : i32
    %dma_wait3A_38 = arith.constant 0 : i32
    %dma_wait3A_39 = tpu.memref_slice %arg7[%dma_wait3A, %dma_wait3A_37, %dma_wait3A_38] : memref<2x1000x16xf32, #tpu.memory_space<vmem>> -> memref<1x1000x16xf32, #tpu.memory_space<vmem>>
    %dma_wait3A_40 = tpu.memref_squeeze %dma_wait3A_39 : memref<1x1000x16xf32, #tpu.memory_space<vmem>> -> memref<1000x16xf32, #tpu.memory_space<vmem>>
    %dma_wait3A_41 = arith.constant 9000 : i32
    %dma_wait3A_42 = tpu.memref_slice %arg6[%dma_wait3A_41] : memref<10000xi32, #tpu.memory_space<vmem>> -> memref<1000xi32, #tpu.memory_space<vmem>>
    %dma_wait3A_43 = arith.constant 0 : i32
    %dma_wait3A_44 = arith.constant 0 : i32
    %dma_wait3A_45 = tpu.memref_slice %arg9[%dma_wait3A_43, %dma_wait3A_44] : memref<10240x16xf32, #tpu.memory_space<vmem_shared>> -> memref<10240x16xf32, #tpu.memory_space<vmem_shared>>
    %dma_wait3A_46 = tpu.memref_slice %arg12[%dma_wait3A_36] : memref<2x!tpu.dma_semaphore, #tpu.memory_space<semaphore_mem>> -> memref<1x!tpu.dma_semaphore, #tpu.memory_space<semaphore_mem>>
    %dma_wait3A_47 = tpu.memref_squeeze %dma_wait3A_46 : memref<1x!tpu.dma_semaphore, #tpu.memory_space<semaphore_mem>> -> memref<!tpu.dma_semaphore, #tpu.memory_space<semaphore_mem>>
    tpu.wait_indirect_dma semaphore(%dma_wait3A_47 : memref<!tpu.dma_semaphore, #tpu.memory_space<semaphore_mem>>) src(%dma_wait3A_40 : memref<1000x16xf32, #tpu.memory_space<vmem>>) dst(%dma_wait3A_45 : memref<10240x16xf32, #tpu.memory_space<vmem_shared>>)
    %barrier3A_48 = arith.constant 0 : index
    tpu.barrier barrier_id(%barrier3A_48)
    %mul3A_49 = arith.constant 640 : i32
    %mul3A_50 = arith.muli %arg1, %mul3A_49 : i32
    "tpu.region"() ({
      %run_scoped3A_53 = tpu.sem_alloc : memref<!tpu.dma_semaphore, #tpu.memory_space<semaphore_mem>>
      %dma_start3A_54 = arith.constant 0 : i32
      %dma_start3A_55 = tpu.memref_slice %arg9[%mul3A_50, %dma_start3A_54] : memref<10240x16xf32, #tpu.memory_space<vmem_shared>> -> memref<640x16xf32, #tpu.memory_space<vmem_shared>>
      %dma_start3A_56 = arith.constant 0 : i32
      %dma_start3A_57 = tpu.memref_slice %arg9[%mul3A_50, %dma_start3A_56] : memref<10240x16xf32, #tpu.memory_space<vmem_shared>> -> memref<640x16xf32, #tpu.memory_space<vmem_shared>>
      tpu.enqueue_dma source(%dma_start3A_57 : memref<640x16xf32, #tpu.memory_space<vmem_shared>>) target(%arg8 : memref<640x16xf32, #tpu.memory_space<vmem>>) target_semaphore(%run_scoped3A_53 : memref<!tpu.dma_semaphore, #tpu.memory_space<semaphore_mem>>)
      %dma_wait3A_58 = arith.constant 0 : i32
      %dma_wait3A_59 = tpu.memref_slice %arg9[%mul3A_50, %dma_wait3A_58] : memref<10240x16xf32, #tpu.memory_space<vmem_shared>> -> memref<640x16xf32, #tpu.memory_space<vmem_shared>>
      %dma_wait3A_60 = arith.constant 0 : i32
      %dma_wait3A_61 = tpu.memref_slice %arg9[%mul3A_50, %dma_wait3A_60] : memref<10240x16xf32, #tpu.memory_space<vmem_shared>> -> memref<640x16xf32, #tpu.memory_space<vmem_shared>>
      tpu.wait_dma2 semaphore(%run_scoped3A_53 : memref<!tpu.dma_semaphore, #tpu.memory_space<semaphore_mem>>) src(%dma_wait3A_61 : memref<640x16xf32, #tpu.memory_space<vmem_shared>>) dst(%arg8 : memref<640x16xf32, #tpu.memory_space<vmem>>)
      tpu.yield
    }) : () -> ()
    %mul3A_51 = arith.constant 640 : i32
    %mul3A_52 = arith.muli %arg1, %mul3A_51 : i32
    "tpu.region"() ({
      %run_scoped3A_53 = tpu.sem_alloc : memref<!tpu.dma_semaphore, #tpu.memory_space<semaphore_mem>>
      %dma_start3A_54 = arith.constant 0 : i32
      %dma_start3A_55 = tpu.memref_slice %arg4[%arg0, %mul3A_52, %dma_start3A_54] : memref<2x10240x16xf32, #tpu.memory_space<hbm>> -> memref<1x640x16xf32, #tpu.memory_space<hbm>>
      %dma_start3A_56 = tpu.memref_squeeze %dma_start3A_55 : memref<1x640x16xf32, #tpu.memory_space<hbm>> -> memref<640x16xf32, #tpu.memory_space<hbm>>
      %dma_start3A_57 = arith.constant 0 : i32
      %dma_start3A_58 = tpu.memref_slice %arg4[%arg0, %mul3A_52, %dma_start3A_57] : memref<2x10240x16xf32, #tpu.memory_space<hbm>> -> memref<1x640x16xf32, #tpu.memory_space<hbm>>
      %dma_start3A_59 = tpu.memref_squeeze %dma_start3A_58 : memref<1x640x16xf32, #tpu.memory_space<hbm>> -> memref<640x16xf32, #tpu.memory_space<hbm>>
      tpu.enqueue_dma source(%arg8 : memref<640x16xf32, #tpu.memory_space<vmem>>) target(%dma_start3A_59 : memref<640x16xf32, #tpu.memory_space<hbm>>) target_semaphore(%run_scoped3A_53 : memref<!tpu.dma_semaphore, #tpu.memory_space<semaphore_mem>>)
      %dma_wait3A_60 = arith.constant 0 : i32
      %dma_wait3A_61 = tpu.memref_slice %arg4[%arg0, %mul3A_52, %dma_wait3A_60] : memref<2x10240x16xf32, #tpu.memory_space<hbm>> -> memref<1x640x16xf32, #tpu.memory_space<hbm>>
      %dma_wait3A_62 = tpu.memref_squeeze %dma_wait3A_61 : memref<1x640x16xf32, #tpu.memory_space<hbm>> -> memref<640x16xf32, #tpu.memory_space<hbm>>
      %dma_wait3A_63 = arith.constant 0 : i32
      %dma_wait3A_64 = tpu.memref_slice %arg4[%arg0, %mul3A_52, %dma_wait3A_63] : memref<2x10240x16xf32, #tpu.memory_space<hbm>> -> memref<1x640x16xf32, #tpu.memory_space<hbm>>
      %dma_wait3A_65 = tpu.memref_squeeze %dma_wait3A_64 : memref<1x640x16xf32, #tpu.memory_space<hbm>> -> memref<640x16xf32, #tpu.memory_space<hbm>>
      tpu.wait_dma2 semaphore(%run_scoped3A_53 : memref<!tpu.dma_semaphore, #tpu.memory_space<semaphore_mem>>) src(%arg8 : memref<640x16xf32, #tpu.memory_space<vmem>>) dst(%dma_wait3A_65 : memref<640x16xf32, #tpu.memory_space<hbm>>)
      tpu.yield
    }) : () -> ()
    return
  }
}

module attributes {stable_mosaic.version = 14 : i64} {
  func.func @_mm1_body(%arg0: memref<10000x128xf32, #tpu.memory_space<vmem>>, %arg1: memref<128x16xf32, #tpu.memory_space<vmem>>, %arg2: memref<10000x128xf32, #tpu.memory_space<vmem>>) attributes {dimension_semantics = [], scalar_prefetch = 0 : i64, scratch_operands = 0 : i64, tpu.core_type = #tpu.core_type<tc>} {
    %get3A = arith.constant 0 : index
    %get3A_0 = arith.constant 0 : index
    %get3A_1 = vector.load %arg0[%get3A, %get3A_0] : memref<10000x128xf32, #tpu.memory_space<vmem>>, vector<10000x128xf32>
    %get3A_2 = arith.constant 0 : index
    %get3A_3 = arith.constant 0 : index
    %get3A_4 = vector.load %arg1[%get3A_2, %get3A_3] : memref<128x16xf32, #tpu.memory_space<vmem>>, vector<128x16xf32>
    %dot_general3A = arith.constant dense<0.000000e+00> : vector<10000x16xf32>
    %dot_general3A_5 = tpu.matmul %get3A_1, %get3A_4, %dot_general3A {dimension_numbers = #tpu.dot_dimension_numbers<[1], [0], [0], [1], [0, 0, 1, 1], [], []>, transpose_lhs_hint = false} : vector<10000x128xf32>, vector<128x16xf32>, vector<10000x16xf32> -> vector<10000x16xf32>
    %swap3A = arith.constant 0 : index
    %swap3A_6 = arith.constant 0 : index
    %swap3A_7 = vector.load %arg2[%swap3A, %swap3A_6] : memref<10000x128xf32, #tpu.memory_space<vmem>>, vector<10000x16xf32>
    tpu.vector_store %arg2[%swap3A, %swap3A_6], %dot_general3A_5 {strides = array<i32>} : memref<10000x128xf32, #tpu.memory_space<vmem>>, vector<10000x16xf32>,
    return
  }
}

module attributes {stable_mosaic.version = 14 : i64} {
  func.func @_head_body(%arg0: memref<2x10240x128xf32, #tpu.memory_space<vmem>>, %arg1: memref<16x40xf32, #tpu.memory_space<vmem>>, %arg2: memref<1x40xf32, #tpu.memory_space<vmem>>, %arg3: memref<10000x40xf32, #tpu.memory_space<vmem>>) attributes {dimension_semantics = [], scalar_prefetch = 0 : i64, scratch_operands = 0 : i64, tpu.core_type = #tpu.core_type<tc>} {
    %get3A = arith.constant 0 : index
    %get3A_0 = arith.constant 0 : index
    %get3A_1 = arith.constant 0 : index
    %get3A_2 = vector.load %arg0[%get3A, %get3A_0, %get3A_1] : memref<2x10240x128xf32, #tpu.memory_space<vmem>>, vector<1x10000x16xf32>
    %get3A_3 = vector.shape_cast %get3A_2 : vector<1x10000x16xf32> to vector<10000x16xf32>
    %get3A_4 = arith.constant 1 : index
    %get3A_5 = arith.constant 0 : index
    %get3A_6 = arith.constant 0 : index
    %get3A_7 = vector.load %arg0[%get3A_4, %get3A_5, %get3A_6] : memref<2x10240x128xf32, #tpu.memory_space<vmem>>, vector<1x10000x16xf32>
    %get3A_8 = vector.shape_cast %get3A_7 : vector<1x10000x16xf32> to vector<10000x16xf32>
    %add3A = arith.addf %get3A_3, %get3A_8 : vector<10000x16xf32>
    %get3A_9 = arith.constant 0 : index
    %get3A_10 = arith.constant 0 : index
    %get3A_11 = vector.load %arg1[%get3A_9, %get3A_10] : memref<16x40xf32, #tpu.memory_space<vmem>>, vector<16x40xf32>
    %dot_general3A = arith.constant dense<0.000000e+00> : vector<10000x40xf32>
    %dot_general3A_12 = tpu.matmul %add3A, %get3A_11, %dot_general3A {dimension_numbers = #tpu.dot_dimension_numbers<[1], [0], [0], [1], [0, 0, 1, 1], [], []>, transpose_lhs_hint = false} : vector<10000x16xf32>, vector<16x40xf32>, vector<10000x40xf32> -> vector<10000x40xf32>
    %get3A_13 = arith.constant 0 : index
    %get3A_14 = arith.constant 0 : index
    %get3A_15 = vector.load %arg2[%get3A_13, %get3A_14] : memref<1x40xf32, #tpu.memory_space<vmem>>, vector<1x40xf32>
    %add3A_16 = vector.broadcast %get3A_15 : vector<1x40xf32> to vector<10000x40xf32>
    %add3A_17 = arith.addf %dot_general3A_12, %add3A_16 : vector<10000x40xf32>
    %reduce_max3A = arith.constant dense<0xFF800000> : vector<10000xf32>
    %reduce_max3A_18 = vector.multi_reduction <maximumf>, %add3A_17, %reduce_max3A [1] : vector<10000x40xf32> to vector<10000xf32>
    %broadcast_in_dim3A = vector.shape_cast %reduce_max3A_18 : vector<10000xf32> to vector<10000x1xf32>
    %sub3A = vector.broadcast %broadcast_in_dim3A : vector<10000x1xf32> to vector<10000x40xf32>
    %sub3A_19 = arith.subf %add3A_17, %sub3A : vector<10000x40xf32>
    %exp3A = math.exp %sub3A_19 : vector<10000x40xf32>
    %reduce_sum3A = arith.constant dense<0.000000e+00> : vector<10000xf32>
    %reduce_sum3A_20 = vector.multi_reduction <add>, %exp3A, %reduce_sum3A [1] : vector<10000x40xf32> to vector<10000xf32>
    %broadcast_in_dim3A_21 = vector.shape_cast %reduce_sum3A_20 : vector<10000xf32> to vector<10000x1xf32>
    %log3A = math.log %broadcast_in_dim3A_21 : vector<10000x1xf32>
    %sub3A_22 = vector.broadcast %log3A : vector<10000x1xf32> to vector<10000x40xf32>
    %sub3A_23 = arith.subf %sub3A_19, %sub3A_22 : vector<10000x40xf32>
    %swap3A = arith.constant 0 : index
    %swap3A_24 = arith.constant 0 : index
    %swap3A_25 = vector.load %arg3[%swap3A, %swap3A_24] : memref<10000x40xf32, #tpu.memory_space<vmem>>, vector<10000x40xf32>
    tpu.vector_store %arg3[%swap3A, %swap3A_24], %sub3A_23 {strides = array<i32>} : memref<10000x40xf32, #tpu.memory_space<vmem>>, vector<10000x40xf32>,
    return
  }
}

</mosaic_0001>

<sc_bundles>
// kernel: kernel.6.cloned.1.call-start
scs
__scs_entry_jumppad:
0x0: {  	(pc) =	sbr.rel $0x88, $3  }
0x1: {  	(tag) =	ssettag $0x0;
	lr =	simm.s32 $0x1  }
0x2: {  	[smem:$0x3F9B] =	sst lr;
	_ =	strace $0xD0000000  }
0x3: {  	_ = 	snop  }
0x4: {  	_ = 	snop  }
0x5: {  	_ = 	snop  }
0x6: {  	_ = 	snop  }
0x7: {  	_ = 	snop  }
__scs_overlays_trampoline_lowered:
0x8: {  	[smem:$0x3FAA] =	sst s0  }
0x9: {  	[smem:$0x3FAB] =	sst s1  }
0xa: {  	[smem:$0x3FAC] =	sst s2  }
0xb: {  	[smem:$0x3FAD] =	sst s3  }
0xc: {  	[smem:$0x3FAE] =	sst s4  }
0xd: {  	[smem:$0x3FAF] =	sst s5  }
0xe: {  	[smem:$0x3FB0] =	sst s6  }
0xf: {  	[smem:$0x3FB1] =	sst s7  }
0x10: {  	[smem:$0x3FB2] =	sst s8  }
0x11: {  	[smem:$0x3FB3] =	sst s9;
	s0 =	simm.s32 @!p0 $0x0  }
0x12: {  	s1 =	sld [smem:$0x3F99];
	s0 =	simm.s32 @p0 $0x1  }
0x13: {  	[smem:$0x3FB4] =	sst s0;
	s0 =	simm.s32 @!p1 $0x0  }
0x14: {  	s2 =	sld [smem:$0x3F98];
	s0 =	simm.s32 @p1 $0x1  }
0x15: {  	[smem:$0x3FB5] =	sst s0;
	s0 =	simm.s32 @!p2 $0x0  }
0x16: {  	s3 =	sld [smem:$0x3FDB];
	s0 =	simm.s32 @p2 $0x1  }
0x17: {  	s4 =	simm.s32 $0x1BF5;
	[smem:$0x3FB7] =	sst s0  }
0x18: {  	s0 =	sld [smem:$0x3F9A];
	_ =	swait.ge [sflag:s4], $0x0  }
0x19: {  	s7 =	sld [smem:$0x3F9B]  }
0x1a: {  	s8 =	sadd.s32 $0xFFFFE003, lr  }
0x1b: {  	s9 =	sadd.s32 $0xFFFFFEF7, lr;
	s5 =	simm.s32 $0xFFFFFFFF;
	p2 =	slt.u32 s8, $0xFFFFF086  }
0x1c: {  	p1 =	slt.u32 s9, $0xF7A;
	s5 =	simm.s32 @!p2 $0x0  }
0x1d: {  	s5 =	simm.s32 @p1 $0x1;
	p0 =	seq.s32 s7, s2  }
0x1e: {  	s7 =	smul.u32 @!p0 $0xF7A, s2;
	p2 =	seq.s32 @!p0 s5, $0x0  }
0x1f: {  	s9 =	smul.u32 $0xF7A, s1;
	s8 =	simm.s32 @!p0 $0x1BF5;
	p2 =	por !p2, p0  }
0x20: {  	[sflag:s8] =	ssyncset.s32 @!p0 $0xFFFFF086;
	s6 =	sadd.s32 @!p0 s3, s7;
	s7 =	simm.s32 @!p0 $0x108  }
0x21: {  	s3 =	sadd.s32 s3, s9;
	s6 =	sadd.s32 @!p0 $0x88, s6;
	s7 =	simm.s32 @p2 $0x1082  }
0x22: {  	[simem:s7], [sflag:s8] =	dma.local @!p0 [hbm:s6], $0xF7A  }
0x23: {  	s9 =	sor.u32 $0xD0000000, s2;
	s6 =	simm.s32 $0x108;
	_ =	swait.ge @!p0 [sflag:s8], $0x0  }
0x24: {  	s3 =	sadd.s32 $0x88, s3;
	s6 =	simm.s32 @!p1 $0x1082;
	[sflag:s4] =	ssyncset.s32 $0xFFFFF086  }
0x25: {  	[simem:s6], [sflag:s4] =	dma.local [hbm:s3], $0xF7A  }
0x26: {  	[smem:$0x3F9B] =	sst s1;
	(tag) =	ssettag s2;
	_ =	strace s9  }
0x27: {  	s1 =	sld [smem:$0x3FAB]  }
0x28: {  	s2 =	sld [smem:$0x3FAC]  }
0x29: {  	s4 =	sld [smem:$0x3FAE]  }
0x2a: {  	p0 =	seq.s32 s5, $0x0;
	s5 =	sld [smem:$0x3FAF]  }
0x2b: {  	s6 =	sld [smem:$0x3FB0]  }
0x2c: {  	s7 =	sld [smem:$0x3FB1]  }
0x2d: {  	s3 =	simm.s32 $0x108;
	s8 =	sld [smem:$0x3FB2]  }
0x2e: {  	s3 =	simm.s32 @!p0 $0x1082;
	s9 =	sld [smem:$0x3FB3]  }
0x2f: {  	lr =	sadd.s32 s0, s3;
	s0 =	sld [smem:$0x3FAA]  }
0x30: {  	s3 =	sld [smem:$0x3FAD]  }
0x31: {  	[smem:$0x3FB6] =	sst s10  }
0x32: {  	s10 =	sld [smem:$0x3FB4];
	_ =	sdelay $0x3  }
0x33: {  	p0 =	seq.s32 s10, $0x1;
	s10 =	sld [smem:$0x3FB6];
	_ =	sdelay $0x3  }
0x34: {  	[smem:$0x3FB6] =	sst s10  }
0x35: {  	s10 =	sld [smem:$0x3FB5];
	_ =	sdelay $0x3  }
0x36: {  	p1 =	seq.s32 s10, $0x1;
	s10 =	sld [smem:$0x3FB6];
	_ =	sdelay $0x3  }
0x37: {  	[smem:$0x3FB6] =	sst s10  }
0x38: {  	s10 =	sld [smem:$0x3FB7]  }
0x39: {  	_ = 	snop;
	(pc) =	sbr.ind lr, $3  }
0x3a: {  	_ = 	snop  }
0x3b: {  	_ = 	snop  }
0x3c: {  	p2 =	seq.s32 s10, $0x1;
	s10 =	sld [smem:$0x3FB6]  }
0x3d: {  	_ =	shalt  }
0x3e: {  	_ =	shalt  }
0x3f: {  	_ =	shalt  }
0x40: {  	_ =	shalt  }
0x41: {  	_ =	shalt  }
0x42: {  	_ =	shalt  }
0x43: {  	_ =	shalt  }
0x44: {  	_ =	shalt  }
0x45: {  	_ =	shalt  }
0x46: {  	_ =	shalt  }
0x47: {  	_ =	shalt  }
0x48: {  	_ =	shalt  }
0x49: {  	_ =	shalt  }
0x4a: {  	_ =	shalt  }
0x4b: {  	_ =	shalt  }
0x4c: {  	_ =	shalt  }
0x4d: {  	_ =	shalt  }
0x4e: {  	_ =	shalt  }
0x4f: {  	_ =	shalt  }
0x50: {  	_ =	shalt  }
0x51: {  	_ =	shalt  }
0x52: {  	_ =	shalt  }
0x53: {  	_ =	shalt  }
0x54: {  	_ =	shalt  }
0x55: {  	_ =	shalt  }
0x56: {  	_ =	shalt  }
0x57: {  	_ =	shalt  }
0x58: {  	_ =	shalt  }
0x59: {  	_ =	shalt  }
0x5a: {  	_ =	shalt  }
0x5b: {  	_ =	shalt  }
0x5c: {  	_ =	shalt  }
0x5d: {  	_ =	shalt  }
0x5e: {  	_ =	shalt  }
0x5f: {  	_ =	shalt  }
0x60: {  	_ =	shalt  }
0x61: {  	_ =	shalt  }
0x62: {  	_ =	shalt  }
0x63: {  	_ =	shalt  }
0x64: {  	_ =	shalt  }
0x65: {  	_ =	shalt  }
0x66: {  	_ =	shalt  }
0x67: {  	_ =	shalt  }
0x68: {  	_ =	shalt  }
0x69: {  	_ =	shalt  }
0x6a: {  	_ =	shalt  }
0x6b: {  	_ =	shalt  }
0x6c: {  	_ =	shalt  }
0x6d: {  	_ =	shalt  }
0x6e: {  	_ =	shalt  }
0x6f: {  	_ =	shalt  }
0x70: {  	_ =	shalt  }
0x71: {  	_ =	shalt  }
0x72: {  	_ =	shalt  }
0x73: {  	_ =	shalt  }
0x74: {  	_ =	shalt  }
0x75: {  	_ =	shalt  }
0x76: {  	_ =	shalt  }
0x77: {  	_ =	shalt  }
0x78: {  	_ =	shalt  }
0x79: {  	_ =	shalt  }
0x7a: {  	_ =	shalt  }
0x7b: {  	_ =	shalt  }
0x7c: {  	_ =	shalt  }
0x7d: {  	_ =	shalt  }
0x7e: {  	_ =	shalt  }
0x7f: {  	_ =	shalt  }
0x80: {  	_ =	shalt  }
0x81: {  	_ =	shalt  }
0x82: {  	_ =	shalt  }
0x83: {  	_ =	shalt  }
0x84: {  	_ =	shalt  }
0x85: {  	_ =	shalt  }
0x86: {  	_ =	shalt  }
0x87: {  	_ =	shalt  }
.Lfunc_end0:
.L_simem_size_0:
called_computation_lowered:
.L_overlay_start_0:
0x88: {  	s2 =	sld [smem:$0x3FD9]  }
0x89: {  	s3 =	sld [smem:$0x3FFE];
	_ =	sdelay $0x1  }
0x8a: {  	s1 =	srdreg.scid  }
0x8b: {  	s0 =	sand.u32 $0x1, s1  }
0x8c: {  	s17 =	sshll.u32 s0, $0xA;
	s2 =	sadd.s32 s3, s2  }
0x8d: {  	s2 =	sadd.s32 s2, s17  }
0x8e: {  	[smem:$0x3FC2] =	sst s2  }
0x8f: {  	_ = 	snop  }
0x90: {  	s2 =	sld [smem:$0x3FD0];
	(tm) =	ssettm $0x1  }
0x91: {  	s18 =	sld [smem:$0x3FFB];
	_ =	sdelay $0x3  }
0x92: {  	_ =	strace s18  }
0x93: {  	s3 =	sld [smem:$0x3FFC];
	_ =	sdelay $0x3  }
0x94: {  	_ =	strace s3  }
0x95: {  	s3 =	sld [smem:$0x3FFD];
	_ =	sdelay $0x3  }
0x96: {  	_ =	strace s3  }
0x97: {  	_ =	strace $0x8FFFFFFF  }
0x98: {  	s19 =	sld [smem:$0x3FDB];
	_ =	sdelay $0x1  }
0x99: {  	s4 =	simm.s32 $_scs_section_size  }
0x9a: {  	s5 =	simm.s32 $_size__tile_overlayer_lowered;
	s6 =	simm.s32 $_tile_overlayer_lowered  }
0x9b: {  	s22 =	simm.s32 $0x1BFF;
	s21 =	sshll.u32 s6, $0x1;
	s3 =	sadd.s32 s4, s19  }
0x9c: {  	s7 =	simm.s32 $0x0;
	s20 =	sshll.u32 s5, $0x1;
	s5 =	sadd.s32 s21, s3  }
0x9d: {  	[timem:s7], [sflag:s22] =	dma.local [hbm:s5], s20  }
0x9e: {  	_ =	swait.ge [sflag:s22], s20  }
0x9f: {  	s4 =	ssub.s32 $0x0, s20;
	[sflag:s22] =	ssyncset.done $0x0  }
0xa0: {  	[sflag:s22] =	ssyncadd.s32 s4;
	_ =	sdelay $0x1  }
0xa1: {  	s23 =	simm.s32 $0x1B8B  }
0xa2: {  	_ =	swait.ge [sflag:s23], $0x1  }
0xa3: {  	[sflag:s23] =	ssyncset.done $0x0  }
0xa4: {  	s25 =	simm.s32 $0x1B8E;
	s24 =	sld [smem:$0x3FFE];
	[sflag:s23] =	ssyncadd.s32 $0xFFFFFFFF  }
0xa5: {  	s26 =	simm.s32 $execute0_lowered;
	[smem:$0x3FD2] =	sst s25  }
0xa6: {  	s5 =	sshll.u32 s26, $0x1;
	_ =	strace $0x80000046;
	[dreg:$0x1] =	wrdreg $0xFFFFFFFF  }
0xa7: {  	s28 =	simm.s32 $_size_execute0_lowered;
	s3 =	sadd.s32 s3, s5;
	[dreg:$0x0] =	wrdreg $0x0  }
0xa8: {  	s5 =	sshll.u32 s28, $0x1;
	[dreg:$0x2] =	wrdreg s3  }
0xa9: {  	[dreg:$0x3] =	wrdreg s5  }
0xaa: {  	[dreg:$0x4] =	wrdreg $0xC0  }
0xab: {  	_ =	task [dreg:s7], $0x5FFFF  }
0xac: {  	[dreg:$0x1] =	wrdreg $0xFFFFFFFF  }
0xad: {  	[dreg:$0x0] =	wrdreg $0x60  }
0xae: {  	[dreg:$0x2] =	wrdreg s24  }
0xaf: {  	[dreg:$0x3] =	wrdreg s2  }
0xb0: {  	[dreg:$0x4] =	wrdreg $0xF3200  }
0xb1: {  	[dreg:$0x5] =	wrdreg $0x11B200  }
0xb2: {  	[dreg:$0x6] =	wrdreg $0x9  }
0xb3: {  	_ =	task.clear_ibuf [dreg:s7], $0x7FFFF;
	_ =	strace $0x90000046  }
0xb4: {  	s29 =	simm.s32 $0x9;
	_ =	strace $0x80000048  }
0xb5: {  	_ =	swait.ge [sflag:s29], $0x1  }
0xb6: {  	[sflag:s29] =	ssyncadd.s32 $0xFFFFFFFF  }
0xb7: {  	_ =	strace $0x90000048  }
0xb8: {  	_ =	sfence  }
0xb9: {  	s30 =	sld [smem:$0x0];
	_ =	sdelay $0x2  }
0xba: {  	s31 =	sshll.u32 s1, $0xD;
	s1 =	sshrl.u32 s1, $0x2  }
0xbb: {  	s3 =	sand.u32 $0x4000, s31;
	s1 =	sadd.s32 s1, s30  }
0xbc: {  	s0 =	sor.u32 s3, s0;
	s1 =	sshll.u32 s1, $0x11  }
0xbd: {  	s0 =	sor.u32 s1, s0  }
0xbe: {  	s0 =	sadd.s32 $0x8F2B, s0  }
0xbf: {  	[sflag:s0] =	ssyncadd.remote.s32 $0x1  }
0xc0: {  	_ =	sfence.sel $0xFFFF  }
0xc1: {  	[dreg:$0x0] =	wrdreg $0xFFFFFFFF;
	(pc) =	sbr.abs _section_cstart, $3  }
0xc2: {  	[dreg:$0x1] =	wrdreg $0xFFFFFFFF  }
0xc3: {  	_ =	task.clear_ibuf [dreg:s7], $0x2FFFF;
	_ =	strace $0x9FFFFFFF  }
0xc4: {  	(tm) =	ssettm $0x7FFFFFFF  }
0xc5: {  	_ =	shalt  }
tec
execute0_lowered:
.L_overlay_start_1:
0x0: {  	(tag) =	ssettag $0x1  }
0x1: {  	s5 =	rddreg [dreg:$0x0]  }
0x2: {  	s9 =	rddreg [dreg:$0x1]  }
0x3: {  	s1 =	rddreg [dreg:$0x2];
	s0 =	srdreg.scid  }
0x4: {  	s3 =	rddreg [dreg:$0x3];
	s2 =	stileid.u32  }
0x5: {  	s4 =	simm.s32 $0x0;
	s16 =	simm.s32 $0x1;
	s17 =	simm.s32 $0x2  }
0x6: {  	s18 =	simm.s32 $0x10;
	s19 =	simm.s32 $0x4E20;
	s20 =	simm.s32 $0x3E8  }
0x7: {  	s21 =	simm.s32 $0x4;
	s22 =	simm.s32 $0x0;
	s8 =	smul.u32 $0x2710, s2  }
0x8: {  	s6 =	sand.u32 $0x1, s0;
	s0 =	rddreg [dreg:$0x4];
	s10 =	smul.u32 $0x2800, s2  }
0x9: {  	[smem:$0x7FF] =	sst s4;
	s12 =	smul.u32 $0x9C40, s2;
	s7 =	sshll.u32 s6, $0x4  }
0xa: {  	s14 =	sshll.u32 s2, $0x6;
	s13 =	smul.u32 $0x28000, s6;
	s7 =	sor.u32 s2, s7  }
0xb: {  	_ =	strace $0x80000047;
	s11 =	ssub.s32 $0x2, s6;
	s7 =	smul.u32 $0x2710, s7  }
0xc: {  	s14 =	sor.u32 $0x1C05, s14;
	s8 =	sadd.s32 s8, s5;
	s31 =	sshrl.u32 s11, $0x1  }
0xd: {  	s12 =	sshrl.u32 s12, $0x2;
	s11 =	ssub.s32 s11, s31;
	s7 =	sshrl.u32 s7, $0x3  }
.Ltmp0:
0xe: {  	s15 =	sadd.s32 s12, s3;
	s7 =	sadd.s32 s7, s5;
	(pc) =	sbr.rel .LBB2_1-.Ltmp0, $4  }
0xf: {  	s8 =	sadd.s32 $0x14C00, s8;
	s12 =	simm.s32 $0x2710;
	s5 =	sadd.s32 $0x1200, s7  }
0x10: {  	s6 =	sadd.s32 $0xAE40, s7;
	s7 =	sadd.s32 s10, s1;
	s10 =	sadd.s32 s10, s13  }
0x11: {  	s15 =	sshrl.u32 s15, $0x3;
	s13 =	simm.s32 $0xCB20;
	s10 =	sshrl.u32 s10, $0x3  }
0x12: {  	v0 =	vimm.f32 $0.0e+00;
	s9 =	sadd.s32 s9, s10;
	s10 =	smax.u32 s11, $0x1;
	s11 =	simm.s32 $0x5  }
.LBB2_6:
0x13: {  	[spmem:s1] =	stream.indirect.scatter.add.f32 [tilespmem:s28], [sflag:s29], $0x10, s25, s20, $0xb8;
	[tilespmem:$0x14230] =	vst v63  }
0x14: {  	_ =	swait.ge [sflag:s21], $0x3E80  }
0x15: {  	[sflag:s21] =	ssyncset.done $0x0  }
0x16: {  	[sflag:s21] =	ssyncadd.s32 $0xFFFFC180  }
0x17: {  	[bflag:$0x0] =	sbarrier.arrive $0xFFFF  }
0x18: {  	[tilespmem:s13], [sflag:$0x5] =	stream.linear.gather [spmem:s7], $0x2800, $0x38;
	[tilespmem:$0x14230] =	vst v63  }
0x19: {  	s22 =	sadd.s32 $0x1, s22;
	_ =	swait.ge [sflag:s11], $0x2800  }
0x1a: {  	p0 =	sne.s32 s22, s10;
	[sflag:s11] =	ssyncset.done $0x0  }
.Ltmp1:
0x1b: {  	[sflag:s11] =	ssyncadd.s32 $0xFFFFD800;
	(pc) =	sbr.rel @!p0 .LBB2_7-.Ltmp1, $4  }
0x1c: {  	[hbm4b:s9+s4] =	stream.linear.scatter [tilespmem:s13], [sflag:$0x5], $0x2800, $0x38;
	[tilespmem:$0x14230] =	vst v63  }
0x1d: {  	_ =	swait.ge [sflag:s11], $0x2800  }
0x1e: {  	[sflag:s11] =	ssyncset.done $0x0  }
0x1f: {  	[sflag:s11] =	ssyncadd.s32 $0xFFFFD800  }
.LBB2_1:
0x20: {  	[tilespmem:s4], [sflag:$0x5] =	stream.linear.gather [hbm4b:s5+s4], $0x2710, $0x38;
	[tilespmem:$0x14230] =	vst v63  }
0x21: {  	_ =	swait.ge [sflag:s11], $0x2710  }
0x22: {  	[sflag:s11] =	ssyncset.done $0x0  }
0x23: {  	[sflag:s11] =	ssyncadd.s32 $0xFFFFD8F0  }
0x24: {  	[tilespmem:s12], [sflag:$0x5] =	stream.linear.gather [hbm4b:s6+s4], $0x2710, $0x38;
	[tilespmem:$0x14230] =	vst v63  }
0x25: {  	_ =	swait.ge [sflag:s11], $0x2710  }
0x26: {  	[sflag:s11] =	ssyncset.done $0x0  }
0x27: {  	s23 =	simm.s32 $0x0;
	s24 =	simm.s32 $0x400;
	[sflag:s11] =	ssyncadd.s32 $0xFFFFD8F0  }
.LBB2_2:
0x28: {  	p0 =	sne.s32 s24, $0x9C00;
	[tilespmem:s23+$0xCC10] =	vst v0  }
0x29: {  	[tilespmem:s23+$0xCB20] =	vst v0  }
0x2a: {  	[tilespmem:s23+$0xCB30] =	vst v0  }
0x2b: {  	[tilespmem:s23+$0xCB40] =	vst v0  }
0x2c: {  	[tilespmem:s23+$0xCB50] =	vst v0  }
0x2d: {  	[tilespmem:s23+$0xCB60] =	vst v0  }
0x2e: {  	[tilespmem:s23+$0xCB70] =	vst v0  }
0x2f: {  	[tilespmem:s23+$0xCB80] =	vst v0  }
0x30: {  	[tilespmem:s23+$0xCB90] =	vst v0  }
0x31: {  	[tilespmem:s23+$0xCBA0] =	vst v0  }
0x32: {  	[tilespmem:s23+$0xCBB0] =	vst v0  }
.Ltmp2:
0x33: {  	[tilespmem:s23+$0xCBC0] =	vst v0;
	(pc) =	sbr.rel @p0 .LBB2_2-.Ltmp2, $4  }
0x34: {  	[tilespmem:s23+$0xCBD0] =	vst v0  }
0x35: {  	[tilespmem:s23+$0xCBE0] =	vst v0  }
0x36: {  	[tilespmem:s23+$0xCBF0] =	vst v0  }
0x37: {  	[tilespmem:s23+$0xCC00] =	vst v0;
	s23 =	sshra.s32 s24, $0x2;
	s24 =	sadd.s32 $0x400, s24  }
0x38: {  	[tilespmem:s23+$0xCC10] =	vst v0  }
0x39: {  	[tilespmem:s23+$0xCB20] =	vst v0  }
0x3a: {  	[tilespmem:s23+$0xCB30] =	vst v0  }
0x3b: {  	[tilespmem:s23+$0xCB40] =	vst v0  }
0x3c: {  	[tilespmem:s23+$0xCB50] =	vst v0  }
0x3d: {  	[tilespmem:s23+$0xCB60] =	vst v0  }
0x3e: {  	[tilespmem:s23+$0xCB70] =	vst v0  }
0x3f: {  	[tilespmem:s23+$0xCB80] =	vst v0  }
0x40: {  	[tilespmem:s23+$0xCB90] =	vst v0  }
0x41: {  	[tilespmem:s23+$0xCBA0] =	vst v0  }
0x42: {  	[tilespmem:s23+$0xCBB0] =	vst v0  }
0x43: {  	[tilespmem:s23+$0xCBC0] =	vst v0  }
0x44: {  	[tilespmem:s23+$0xCBD0] =	vst v0  }
0x45: {  	[tilespmem:s23+$0xCBE0] =	vst v0  }
0x46: {  	[tilespmem:s23+$0xCBF0] =	vst v0  }
0x47: {  	[tilespmem:s23+$0xCC00] =	vst v0  }
0x48: {  	[spmem:s7] =	stream.linear.scatter [tilespmem:s13], [sflag:$0x5], $0x2800, $0x38;
	[tilespmem:$0x14230] =	vst v63  }
0x49: {  	_ =	swait.ge [sflag:s11], $0x2800  }
0x4a: {  	[sflag:s11] =	ssyncset.done $0x0  }
0x4b: {  	[sflag:s11] =	ssyncadd.s32 $0xFFFFD800  }
0x4c: {  	[spmem:s15@s17], [sflag:s14] =	dma.strided [hbm:s8@s18], $0x4E2, s16, $0x2   }
0x4d: {  	_ =	swait.ge [sflag:s11], $0x4E2  }
0x4e: {  	[sflag:s11] =	ssyncset.done $0x0  }
0x4f: {  	s23 =	simm.s32 $0x3E8;
	[sflag:s11] =	ssyncadd.s32 $0xFFFFFB1E  }
0x50: {  	s24 =	simm.s32 $0x0;
	s25 =	simm.s32 $0x2710;
	[bflag:$0x0] =	sbarrier.arrive $0xFFFF  }
0x51: {  	[tilespmem:s19], [sflag:$0x1] =	stream.indirect.gather [spmem:s3], $0x10, s24, s23, $0xb8;
	[tilespmem:$0x14230] =	vst v63  }
.LBB2_4:
0x52: {  	s29 =	sand.u32 $0x1, s24;
	p0 =	seq.s32 s24, $0x0  }
0x53: {  	s28 =	sadd.s32 $0x1, s29;
	p1 =	seq.s32 @!p0 s24, $0x9  }
0x54: {  	_ =	swait.ge [sflag:s28], $0x3E80;
	p1 =	por p0, !p1  }
.Ltmp3:
0x55: {  	s26 =	sxor.u32 @!p0 $0x1, s29;
	[sflag:s28] =	ssyncset.done $0x0;
	(pc) =	sbr.rel @!p1 .LBB2_6-.Ltmp3, $4  }
0x56: {  	s30 =	smul.u32 $0xFA00, s29;
	s31 =	sadd.s32 @!p0 $0x3, s26;
	[sflag:s28] =	ssyncadd.s32 $0xFFFFC180  }
0x57: {  	_ =	swait.ge @!p0 [sflag:s31], $0x3E80  }
0x58: {  	s28 =	sshrl.u32 s30, $0x2;
	[sflag:s31] =	ssyncset.done @!p0 $0x0  }
0x59: {  	s29 =	sadd.s32 $0x3, s29;
	s28 =	sadd.s32 $0x4E20, s28;
	[sflag:s31] =	ssyncadd.s32 @!p0 $0xFFFFC180  }
0x5a: {  	s26 =	simm.s32 @p0 $0x1  }
0x5b: {  	s30 =	smul.u32 $0xFA00, s26;
	_ =	sdelay $0x1  }
0x5c: {  	s30 =	sshrl.u32 s30, $0x2  }
.Ltmp4:
0x5d: {  	s26 =	sadd.s32 $0x1, s26;
	s30 =	sadd.s32 $0x4E20, s30;
	(pc) =	sbr.rel .LBB2_4-.Ltmp4, $4  }
0x5e: {  	[tilespmem:s30], [sflag:s26] =	stream.indirect.gather [spmem:s3], $0x10, s23, s20, $0xb8;
	[tilespmem:$0x14230] =	vst v63  }
0x5f: {  	_ = 	snop  }
0x60: {  	[spmem:s1] =	stream.indirect.scatter.add.f32 [tilespmem:s28], [sflag:s29], $0x10, s25, s20, $0xb8;
	[tilespmem:$0x14230] =	vst v63  }
0x61: {  	s24 =	sadd.s32 $0x1, s24;
	s23 =	sadd.s32 $0x3E8, s23;
	s25 =	sadd.s32 $0x3E8, s25  }
.LBB2_7:
0x62: {  	_ =	sfence.sel $0x180000  }
0x63: {  	[bflag:$0x0] =	sbarrier.arrive $0xFFFF  }
0x64: {  	p0 =	sne.s32 s2, $0x0;
	_ =	strace $0x90000047  }
0x65: {  	s0 =	sadd.s32 @!p0 $0x100000, s0;
	[bflag:$0x2] =	sbarrier.arrive $0xFFFF  }
0x66: {  	[sflag:s0] =	ssyncadd.tile.s32 @!p0 $0x1;
	_ =	shalt  }
.Lfunc_end2:
_tile_overlayer_lowered:
.L_overlay_start_2:
0x67: {  	(tag) =	ssettag $0x2  }
0x68: {  	s0 =	rddreg [dreg:$0x0];
	s2 =	stileid.u32  }
0x69: {  	s1 =	rddreg [dreg:$0x1];
	p0 =	sne.s32 s2, $0x0  }
0x6a: {  	s3 =	rddreg [dreg:$0x2];
	[bflag:$0x3] =	sbarrier.arrive $0xFFFF;
	s2 =	simm.s32 @!p0 $0x1C05  }
0x6b: {  	[timem:s3], [sflag:s2] =	dma.local @!p0 [hbm:s0], s1  }
0x6c: {  	s0 =	simm.s32 @!p0 $0x5  }
0x6d: {  	_ =	swait.ge @!p0 [sflag:s0], s1  }
0x6e: {  	s1 =	ssub.s32 @!p0 $0x0, s1;
	[sflag:s0] =	ssyncset.done @!p0 $0x0  }
0x6f: {  	[sflag:s0] =	ssyncadd.s32 @!p0 s1  }
0x70: {  	[bflag:$0x3] =	sbarrier.arrive $0xFFFF  }
0x71: {  	_ =	shalt  }

// kernel: kernel.9.cloned.1.call-start
scs
__scs_entry_jumppad:
0x0: {  	(pc) =	sbr.rel $0x88, $3  }
0x1: {  	(tag) =	ssettag $0x0;
	lr =	simm.s32 $0x1  }
0x2: {  	[smem:$0x3F9B] =	sst lr;
	_ =	strace $0xD0000000  }
0x3: {  	_ = 	snop  }
0x4: {  	_ = 	snop  }
0x5: {  	_ = 	snop  }
0x6: {  	_ = 	snop  }
0x7: {  	_ = 	snop  }
__scs_overlays_trampoline_lowered:
0x8: {  	[smem:$0x3FAA] =	sst s0  }
0x9: {  	[smem:$0x3FAB] =	sst s1  }
0xa: {  	[smem:$0x3FAC] =	sst s2  }
0xb: {  	[smem:$0x3FAD] =	sst s3  }
0xc: {  	[smem:$0x3FAE] =	sst s4  }
0xd: {  	[smem:$0x3FAF] =	sst s5  }
0xe: {  	[smem:$0x3FB0] =	sst s6  }
0xf: {  	[smem:$0x3FB1] =	sst s7  }
0x10: {  	[smem:$0x3FB2] =	sst s8  }
0x11: {  	[smem:$0x3FB3] =	sst s9;
	s0 =	simm.s32 @!p0 $0x0  }
0x12: {  	s1 =	sld [smem:$0x3F99];
	s0 =	simm.s32 @p0 $0x1  }
0x13: {  	[smem:$0x3FB4] =	sst s0;
	s0 =	simm.s32 @!p1 $0x0  }
0x14: {  	s2 =	sld [smem:$0x3F98];
	s0 =	simm.s32 @p1 $0x1  }
0x15: {  	[smem:$0x3FB5] =	sst s0;
	s0 =	simm.s32 @!p2 $0x0  }
0x16: {  	s3 =	sld [smem:$0x3FDB];
	s0 =	simm.s32 @p2 $0x1  }
0x17: {  	s4 =	simm.s32 $0x1BF5;
	[smem:$0x3FB7] =	sst s0  }
0x18: {  	s0 =	sld [smem:$0x3F9A];
	_ =	swait.ge [sflag:s4], $0x0  }
0x19: {  	s7 =	sld [smem:$0x3F9B]  }
0x1a: {  	s8 =	sadd.s32 $0xFFFFE003, lr  }
0x1b: {  	s9 =	sadd.s32 $0xFFFFFEF7, lr;
	s5 =	simm.s32 $0xFFFFFFFF;
	p2 =	slt.u32 s8, $0xFFFFF086  }
0x1c: {  	p1 =	slt.u32 s9, $0xF7A;
	s5 =	simm.s32 @!p2 $0x0  }
0x1d: {  	s5 =	simm.s32 @p1 $0x1;
	p0 =	seq.s32 s7, s2  }
0x1e: {  	s7 =	smul.u32 @!p0 $0xF7A, s2;
	p2 =	seq.s32 @!p0 s5, $0x0  }
0x1f: {  	s9 =	smul.u32 $0xF7A, s1;
	s8 =	simm.s32 @!p0 $0x1BF5;
	p2 =	por !p2, p0  }
0x20: {  	[sflag:s8] =	ssyncset.s32 @!p0 $0xFFFFF086;
	s6 =	sadd.s32 @!p0 s3, s7;
	s7 =	simm.s32 @!p0 $0x108  }
0x21: {  	s3 =	sadd.s32 s3, s9;
	s6 =	sadd.s32 @!p0 $0x88, s6;
	s7 =	simm.s32 @p2 $0x1082  }
0x22: {  	[simem:s7], [sflag:s8] =	dma.local @!p0 [hbm:s6], $0xF7A  }
0x23: {  	s9 =	sor.u32 $0xD0000000, s2;
	s6 =	simm.s32 $0x108;
	_ =	swait.ge @!p0 [sflag:s8], $0x0  }
0x24: {  	s3 =	sadd.s32 $0x88, s3;
	s6 =	simm.s32 @!p1 $0x1082;
	[sflag:s4] =	ssyncset.s32 $0xFFFFF086  }
0x25: {  	[simem:s6], [sflag:s4] =	dma.local [hbm:s3], $0xF7A  }
0x26: {  	[smem:$0x3F9B] =	sst s1;
	(tag) =	ssettag s2;
	_ =	strace s9  }
0x27: {  	s1 =	sld [smem:$0x3FAB]  }
0x28: {  	s2 =	sld [smem:$0x3FAC]  }
0x29: {  	s4 =	sld [smem:$0x3FAE]  }
0x2a: {  	p0 =	seq.s32 s5, $0x0;
	s5 =	sld [smem:$0x3FAF]  }
0x2b: {  	s6 =	sld [smem:$0x3FB0]  }
0x2c: {  	s7 =	sld [smem:$0x3FB1]  }
0x2d: {  	s3 =	simm.s32 $0x108;
	s8 =	sld [smem:$0x3FB2]  }
0x2e: {  	s3 =	simm.s32 @!p0 $0x1082;
	s9 =	sld [smem:$0x3FB3]  }
0x2f: {  	lr =	sadd.s32 s0, s3;
	s0 =	sld [smem:$0x3FAA]  }
0x30: {  	s3 =	sld [smem:$0x3FAD]  }
0x31: {  	[smem:$0x3FB6] =	sst s10  }
0x32: {  	s10 =	sld [smem:$0x3FB4];
	_ =	sdelay $0x3  }
0x33: {  	p0 =	seq.s32 s10, $0x1;
	s10 =	sld [smem:$0x3FB6];
	_ =	sdelay $0x3  }
0x34: {  	[smem:$0x3FB6] =	sst s10  }
0x35: {  	s10 =	sld [smem:$0x3FB5];
	_ =	sdelay $0x3  }
0x36: {  	p1 =	seq.s32 s10, $0x1;
	s10 =	sld [smem:$0x3FB6];
	_ =	sdelay $0x3  }
0x37: {  	[smem:$0x3FB6] =	sst s10  }
0x38: {  	s10 =	sld [smem:$0x3FB7]  }
0x39: {  	_ = 	snop;
	(pc) =	sbr.ind lr, $3  }
0x3a: {  	_ = 	snop  }
0x3b: {  	_ = 	snop  }
0x3c: {  	p2 =	seq.s32 s10, $0x1;
	s10 =	sld [smem:$0x3FB6]  }
0x3d: {  	_ =	shalt  }
0x3e: {  	_ =	shalt  }
0x3f: {  	_ =	shalt  }
0x40: {  	_ =	shalt  }
0x41: {  	_ =	shalt  }
0x42: {  	_ =	shalt  }
0x43: {  	_ =	shalt  }
0x44: {  	_ =	shalt  }
0x45: {  	_ =	shalt  }
0x46: {  	_ =	shalt  }
0x47: {  	_ =	shalt  }
0x48: {  	_ =	shalt  }
0x49: {  	_ =	shalt  }
0x4a: {  	_ =	shalt  }
0x4b: {  	_ =	shalt  }
0x4c: {  	_ =	shalt  }
0x4d: {  	_ =	shalt  }
0x4e: {  	_ =	shalt  }
0x4f: {  	_ =	shalt  }
0x50: {  	_ =	shalt  }
0x51: {  	_ =	shalt  }
0x52: {  	_ =	shalt  }
0x53: {  	_ =	shalt  }
0x54: {  	_ =	shalt  }
0x55: {  	_ =	shalt  }
0x56: {  	_ =	shalt  }
0x57: {  	_ =	shalt  }
0x58: {  	_ =	shalt  }
0x59: {  	_ =	shalt  }
0x5a: {  	_ =	shalt  }
0x5b: {  	_ =	shalt  }
0x5c: {  	_ =	shalt  }
0x5d: {  	_ =	shalt  }
0x5e: {  	_ =	shalt  }
0x5f: {  	_ =	shalt  }
0x60: {  	_ =	shalt  }
0x61: {  	_ =	shalt  }
0x62: {  	_ =	shalt  }
0x63: {  	_ =	shalt  }
0x64: {  	_ =	shalt  }
0x65: {  	_ =	shalt  }
0x66: {  	_ =	shalt  }
0x67: {  	_ =	shalt  }
0x68: {  	_ =	shalt  }
0x69: {  	_ =	shalt  }
0x6a: {  	_ =	shalt  }
0x6b: {  	_ =	shalt  }
0x6c: {  	_ =	shalt  }
0x6d: {  	_ =	shalt  }
0x6e: {  	_ =	shalt  }
0x6f: {  	_ =	shalt  }
0x70: {  	_ =	shalt  }
0x71: {  	_ =	shalt  }
0x72: {  	_ =	shalt  }
0x73: {  	_ =	shalt  }
0x74: {  	_ =	shalt  }
0x75: {  	_ =	shalt  }
0x76: {  	_ =	shalt  }
0x77: {  	_ =	shalt  }
0x78: {  	_ =	shalt  }
0x79: {  	_ =	shalt  }
0x7a: {  	_ =	shalt  }
0x7b: {  	_ =	shalt  }
0x7c: {  	_ =	shalt  }
0x7d: {  	_ =	shalt  }
0x7e: {  	_ =	shalt  }
0x7f: {  	_ =	shalt  }
0x80: {  	_ =	shalt  }
0x81: {  	_ =	shalt  }
0x82: {  	_ =	shalt  }
0x83: {  	_ =	shalt  }
0x84: {  	_ =	shalt  }
0x85: {  	_ =	shalt  }
0x86: {  	_ =	shalt  }
0x87: {  	_ =	shalt  }
.Lfunc_end0:
.L_simem_size_0:
called_computation.1_lowered:
.L_overlay_start_0:
0x88: {  	s2 =	sld [smem:$0x3FD9]  }
0x89: {  	s3 =	sld [smem:$0x3FFE];
	_ =	sdelay $0x1  }
0x8a: {  	s1 =	srdreg.scid  }
0x8b: {  	s0 =	sand.u32 $0x1, s1  }
0x8c: {  	s17 =	sshll.u32 s0, $0xA;
	s2 =	sadd.s32 s3, s2  }
0x8d: {  	s2 =	sadd.s32 s2, s17  }
0x8e: {  	[smem:$0x3FC2] =	sst s2  }
0x8f: {  	_ = 	snop  }
0x90: {  	s2 =	sld [smem:$0x3FC6]  }
0x91: {  	s18 =	sld [smem:$0x3FD0];
	(tm) =	ssettm $0x1  }
0x92: {  	s4 =	sld [smem:$0x3FFB];
	_ =	sdelay $0x3  }
0x93: {  	_ =	strace s4  }
0x94: {  	s4 =	sld [smem:$0x3FFC];
	_ =	sdelay $0x3  }
0x95: {  	_ =	strace s4  }
0x96: {  	s4 =	sld [smem:$0x3FFD];
	_ =	sdelay $0x3  }
0x97: {  	_ =	strace s4  }
0x98: {  	_ =	strace $0x8FFFFFFF  }
0x99: {  	s19 =	sld [smem:$0x3FDB];
	_ =	sdelay $0x1  }
0x9a: {  	s5 =	simm.s32 $_scs_section_size  }
0x9b: {  	s6 =	simm.s32 $_size__tile_overlayer_lowered;
	s7 =	simm.s32 $_tile_overlayer_lowered  }
0x9c: {  	s22 =	simm.s32 $0x1BFF;
	s21 =	sshll.u32 s7, $0x1;
	s4 =	sadd.s32 s5, s19  }
0x9d: {  	s8 =	simm.s32 $0x0;
	s20 =	sshll.u32 s6, $0x1;
	s6 =	sadd.s32 s21, s4  }
0x9e: {  	[timem:s8], [sflag:s22] =	dma.local [hbm:s6], s20  }
0x9f: {  	_ =	swait.ge [sflag:s22], s20  }
0xa0: {  	s5 =	ssub.s32 $0x0, s20;
	[sflag:s22] =	ssyncset.done $0x0  }
0xa1: {  	[sflag:s22] =	ssyncadd.s32 s5;
	_ =	sdelay $0x1  }
0xa2: {  	s23 =	simm.s32 $0x1B8B  }
0xa3: {  	_ =	swait.ge [sflag:s23], $0x1  }
0xa4: {  	[sflag:s23] =	ssyncset.done $0x0  }
0xa5: {  	s25 =	simm.s32 $0x1B8E;
	s24 =	sld [smem:$0x3FFE];
	[sflag:s23] =	ssyncadd.s32 $0xFFFFFFFF  }
0xa6: {  	s26 =	simm.s32 $execute0_lowered;
	[smem:$0x3FD2] =	sst s25  }
0xa7: {  	s6 =	sshll.u32 s26, $0x1;
	_ =	strace $0x80000049;
	[dreg:$0x1] =	wrdreg $0xFFFFFFFF  }
0xa8: {  	s28 =	simm.s32 $_size_execute0_lowered;
	s4 =	sadd.s32 s4, s6;
	[dreg:$0x0] =	wrdreg $0x0  }
0xa9: {  	s6 =	sshll.u32 s28, $0x1;
	[dreg:$0x2] =	wrdreg s4  }
0xaa: {  	[dreg:$0x3] =	wrdreg s6  }
0xab: {  	[dreg:$0x4] =	wrdreg $0xC0  }
0xac: {  	_ =	task [dreg:s8], $0x5FFFF  }
0xad: {  	[dreg:$0x1] =	wrdreg $0xFFFFFFFF  }
0xae: {  	[dreg:$0x0] =	wrdreg $0x60  }
0xaf: {  	[dreg:$0x2] =	wrdreg s18  }
0xb0: {  	[dreg:$0x3] =	wrdreg s24  }
0xb1: {  	[dreg:$0x4] =	wrdreg s2  }
0xb2: {  	[dreg:$0x5] =	wrdreg $0xF3200  }
0xb3: {  	[dreg:$0x6] =	wrdreg $0x11B200  }
0xb4: {  	[dreg:$0x7] =	wrdreg $0x9  }
0xb5: {  	_ =	task.clear_ibuf [dreg:s8], $0x8FFFF;
	_ =	strace $0x90000049  }
0xb6: {  	s29 =	simm.s32 $0x9;
	_ =	strace $0x8000004B  }
0xb7: {  	_ =	swait.ge [sflag:s29], $0x1  }
0xb8: {  	[sflag:s29] =	ssyncadd.s32 $0xFFFFFFFF  }
0xb9: {  	_ =	strace $0x9000004B  }
0xba: {  	_ =	sfence  }
0xbb: {  	s30 =	sld [smem:$0x0];
	_ =	sdelay $0x2  }
0xbc: {  	s31 =	sshll.u32 s1, $0xD;
	s1 =	sshrl.u32 s1, $0x2  }
0xbd: {  	s3 =	sand.u32 $0x4000, s31;
	s1 =	sadd.s32 s1, s30  }
0xbe: {  	s0 =	sor.u32 s3, s0;
	s1 =	sshll.u32 s1, $0x11  }
0xbf: {  	s0 =	sor.u32 s1, s0  }
0xc0: {  	s0 =	sadd.s32 $0x8F2B, s0  }
0xc1: {  	[sflag:s0] =	ssyncadd.remote.s32 $0x1  }
0xc2: {  	_ =	sfence.sel $0xFFFF  }
0xc3: {  	[dreg:$0x0] =	wrdreg $0xFFFFFFFF;
	(pc) =	sbr.abs _section_cstart, $3  }
0xc4: {  	[dreg:$0x1] =	wrdreg $0xFFFFFFFF  }
0xc5: {  	_ =	task.clear_ibuf [dreg:s8], $0x2FFFF;
	_ =	strace $0x9FFFFFFF  }
0xc6: {  	(tm) =	ssettm $0x7FFFFFFF  }
0xc7: {  	_ =	shalt  }
tec
execute0_lowered:
.L_overlay_start_1:
0x0: {  	(tag) =	ssettag $0x1  }
0x1: {  	s2 =	rddreg [dreg:$0x0]  }
0x2: {  	s0 =	srdreg.scid;
	s6 =	rddreg [dreg:$0x1]  }
0x3: {  	s28 =	stileid.u32;
	s3 =	rddreg [dreg:$0x3];
	s15 =	simm.s32 $0x2710  }
0x4: {  	s16 =	simm.s32 $0xCB20;
	s17 =	simm.s32 $0x14230;
	s18 =	simm.s32 $0x16940  }
0x5: {  	s19 =	simm.s32 $0x19050;
	s20 =	simm.s32 $0x4E20;
	s21 =	simm.s32 $0x3E8  }
0x6: {  	s22 =	simm.s32 $0x4;
	s23 =	simm.s32 $0x10;
	s10 =	smul.u32 $0x14000, s28  }
0x7: {  	s24 =	simm.s32 $0x80;
	s7 =	sand.u32 $0x1, s0;
	s11 =	smul.u32 $0x2710, s28  }
0x8: {  	s25 =	simm.s32 $0x0;
	s12 =	smul.u32 $0xA000, s28;
	s4 =	sshll.u32 s7, $0x4  }
0x9: {  	s9 =	smul.u32 $0x140000, s7;
	s7 =	ssub.s32 $0x2, s7;
	s5 =	sor.u32 s28, s4  }
0xa: {  	s4 =	rddreg [dreg:$0x4];
	s29 =	sshrl.u32 s7, $0x1;
	s30 =	sshrl.u32 s11, $0x3  }
0xb: {  	s31 =	sshrl.u32 s12, $0x2;
	s8 =	smul.u32 $0x2710, s5;
	s5 =	simm.s32 $0x0  }
0xc: {  	s9 =	sadd.s32 s10, s9;
	s14 =	ssub.s32 s7, s29;
	s7 =	sadd.s32 s2, s30  }
.Ltmp0:
0xd: {  	s11 =	sadd.s32 s11, s4;
	[smem:$0x7FF] =	sst s5;
	(pc) =	sbr.rel .LBB2_1-.Ltmp0, $4  }
0xe: {  	s9 =	sshrl.u32 s9, $0x3;
	s10 =	sadd.s32 $0x5000, s7;
	s8 =	sshrl.u32 s8, $0x3  }
0xf: {  	_ =	strace $0x8000004A;
	s13 =	sadd.s32 s9, s6;
	s9 =	sadd.s32 s31, s3  }
0x10: {  	s8 =	sadd.s32 s8, s6;
	s12 =	sadd.s32 $0x14C00, s13;
	s13 =	smax.u32 s14, $0x1  }
0x11: {  	v0 =	vimm.f32 $0.0e+00;
	s14 =	simm.s32 $0x5;
	s6 =	sadd.s32 $0x1200, s8;
	s8 =	sadd.s32 $0xAE40, s8  }
.LBB2_8:
0x12: {  	[spmem:s3] =	stream.indirect.scatter.add.f32 [tilespmem:s31], [sflag:s2], $0x10, s29, s21, $0xb8;
	[tilespmem:$0x19060] =	vst v63  }
0x13: {  	_ =	swait.ge [sflag:s22], $0x3E80  }
0x14: {  	[sflag:s22] =	ssyncset.done $0x0  }
0x15: {  	[sflag:s22] =	ssyncadd.s32 $0xFFFFC180  }
0x16: {  	[bflag:$0x0] =	sbarrier.arrive $0xFFFF  }
0x17: {  	[tilespmem:s16], [sflag:$0x5] =	stream.linear.gather [spmem:s9], $0x2800, $0x38;
	[tilespmem:$0x19060] =	vst v63  }
0x18: {  	s25 =	sadd.s32 $0x1, s25;
	_ =	swait.ge [sflag:s14], $0x2800  }
0x19: {  	p0 =	sne.s32 s25, s13;
	[sflag:s14] =	ssyncset.done $0x0  }
.Ltmp1:
0x1a: {  	[sflag:s14] =	ssyncadd.s32 $0xFFFFD800;
	(pc) =	sbr.rel @!p0 .LBB2_9-.Ltmp1, $4  }
0x1b: {  	[hbm4b:s12+s23] =	stream.strided.scatter [tilespmem:s16], [sflag:$0x5], $0x2800, s24, s23, $0x38;
	[tilespmem:$0x19060] =	vst v63  }
0x1c: {  	_ =	swait.ge [sflag:s14], $0x2800  }
0x1d: {  	[sflag:s14] =	ssyncset.done $0x0  }
0x1e: {  	[sflag:s14] =	ssyncadd.s32 $0xFFFFD800  }
.LBB2_1:
0x1f: {  	[tilespmem:s5], [sflag:$0x5] =	stream.linear.gather [hbm4b:s6+s5], $0x2710, $0x38;
	[tilespmem:$0x19060] =	vst v63  }
0x20: {  	_ =	swait.ge [sflag:s14], $0x2710  }
0x21: {  	[sflag:s14] =	ssyncset.done $0x0  }
0x22: {  	[sflag:s14] =	ssyncadd.s32 $0xFFFFD8F0  }
0x23: {  	[tilespmem:s15], [sflag:$0x5] =	stream.linear.gather [hbm4b:s8+s5], $0x2710, $0x38;
	[tilespmem:$0x19060] =	vst v63  }
0x24: {  	_ =	swait.ge [sflag:s14], $0x2710  }
0x25: {  	[sflag:s14] =	ssyncset.done $0x0  }
0x26: {  	s26 =	simm.s32 $0x0;
	s28 =	simm.s32 $0x400;
	[sflag:s14] =	ssyncadd.s32 $0xFFFFD8F0  }
.LBB2_2:
0x27: {  	p0 =	sne.s32 s28, $0x9C00;
	[tilespmem:s26+$0xCC10] =	vst v0  }
0x28: {  	[tilespmem:s26+$0xCB20] =	vst v0  }
0x29: {  	[tilespmem:s26+$0xCB30] =	vst v0  }
0x2a: {  	[tilespmem:s26+$0xCB40] =	vst v0  }
0x2b: {  	[tilespmem:s26+$0xCB50] =	vst v0  }
0x2c: {  	[tilespmem:s26+$0xCB60] =	vst v0  }
0x2d: {  	[tilespmem:s26+$0xCB70] =	vst v0  }
0x2e: {  	[tilespmem:s26+$0xCB80] =	vst v0  }
0x2f: {  	[tilespmem:s26+$0xCB90] =	vst v0  }
0x30: {  	[tilespmem:s26+$0xCBA0] =	vst v0  }
0x31: {  	[tilespmem:s26+$0xCBB0] =	vst v0  }
.Ltmp2:
0x32: {  	[tilespmem:s26+$0xCBC0] =	vst v0;
	(pc) =	sbr.rel @p0 .LBB2_2-.Ltmp2, $4  }
0x33: {  	[tilespmem:s26+$0xCBD0] =	vst v0  }
0x34: {  	[tilespmem:s26+$0xCBE0] =	vst v0  }
0x35: {  	[tilespmem:s26+$0xCBF0] =	vst v0  }
0x36: {  	[tilespmem:s26+$0xCC00] =	vst v0;
	s26 =	sshra.s32 s28, $0x2;
	s28 =	sadd.s32 $0x400, s28  }
0x37: {  	[tilespmem:s26+$0xCC10] =	vst v0  }
0x38: {  	[tilespmem:s26+$0xCB20] =	vst v0  }
0x39: {  	[tilespmem:s26+$0xCB30] =	vst v0  }
0x3a: {  	[tilespmem:s26+$0xCB40] =	vst v0  }
0x3b: {  	[tilespmem:s26+$0xCB50] =	vst v0  }
0x3c: {  	[tilespmem:s26+$0xCB60] =	vst v0  }
0x3d: {  	[tilespmem:s26+$0xCB70] =	vst v0  }
0x3e: {  	[tilespmem:s26+$0xCB80] =	vst v0  }
0x3f: {  	[tilespmem:s26+$0xCB90] =	vst v0  }
0x40: {  	[tilespmem:s26+$0xCBA0] =	vst v0  }
0x41: {  	[tilespmem:s26+$0xCBB0] =	vst v0  }
0x42: {  	[tilespmem:s26+$0xCBC0] =	vst v0  }
0x43: {  	[tilespmem:s26+$0xCBD0] =	vst v0  }
0x44: {  	[tilespmem:s26+$0xCBE0] =	vst v0  }
0x45: {  	[tilespmem:s26+$0xCBF0] =	vst v0  }
0x46: {  	[tilespmem:s26+$0xCC00] =	vst v0  }
0x47: {  	[spmem:s9] =	stream.linear.scatter [tilespmem:s16], [sflag:$0x5], $0x2800, $0x38;
	[tilespmem:$0x19060] =	vst v63  }
0x48: {  	_ =	swait.ge [sflag:s14], $0x2800  }
0x49: {  	[sflag:s14] =	ssyncset.done $0x0  }
0x4a: {  	s2 =	simm.s32 $0x0;
	[sflag:s14] =	ssyncadd.s32 $0xFFFFD800  }
0x4b: {  	[tilespmem:s17], [sflag:$0x5] =	stream.linear.gather [hbm4b:s7+s2], $0x2710, $0x38;
	[tilespmem:$0x19060] =	vst v63  }
0x4c: {  	_ =	swait.ge [sflag:s14], $0x2710  }
0x4d: {  	[sflag:s14] =	ssyncset.done $0x0  }
0x4e: {  	[sflag:s14] =	ssyncadd.s32 $0xFFFFD8F0  }
0x4f: {  	[tilespmem:s18], [sflag:$0x5] =	stream.linear.gather [hbm4b:s10+s2], $0x2710, $0x38;
	[tilespmem:$0x19060] =	vst v63  }
0x50: {  	_ =	swait.ge [sflag:s14], $0x2710  }
0x51: {  	[sflag:s14] =	ssyncset.done $0x0  }
0x52: {  	[sflag:s14] =	ssyncadd.s32 $0xFFFFD8F0  }
0x53: {  	s0 =	rddreg [dreg:$0x2]  }
0x54: {  	[tilespmem:s19], [sflag:$0x5] =	stream.linear.gather [hbm4b:s0+s2], $0x10, $0x38;
	[tilespmem:$0x19060] =	vst v63  }
0x55: {  	_ =	swait.ge [sflag:s14], $0x10  }
0x56: {  	[sflag:s14] =	ssyncset.done $0x0  }
0x57: {  	[sflag:s14] =	ssyncadd.s32 $0xFFFFFFF0  }
0x58: {  	s26 =	simm.s32 $0x0;
	v1 =	vld [tilespmem:$0x19050]  }
0x59: {  	v8 =	vld [tilespmem:s26+$0x16940]  }
0x5a: {  	v9 =	vld [tilespmem:s26+$0x16950]  }
0x5b: {  	v10 =	vld [tilespmem:s26+$0x16960]  }
0x5c: {  	v11 =	vld [tilespmem:s26+$0x16970]  }
0x5d: {  	v12 =	vld [tilespmem:s26+$0x16980]  }
0x5e: {  	v13 =	vld [tilespmem:s26+$0x16990]  }
0x5f: {  	v14 =	vld [tilespmem:s26+$0x169A0]  }
0x60: {  	v15 =	vld [tilespmem:s26+$0x169B0]  }
0x61: {  	v16 =	vld [tilespmem:s26+$0x169C0]  }
0x62: {  	v17 =	vld [tilespmem:s26+$0x169D0]  }
0x63: {  	v18 =	vld [tilespmem:s26+$0x169E0]  }
0x64: {  	v19 =	vld [tilespmem:s26+$0x169F0]  }
0x65: {  	v20 =	vld [tilespmem:s26+$0x16A00]  }
0x66: {  	v21 =	vld [tilespmem:s26+$0x16A10]  }
0x67: {  	v22 =	vld [tilespmem:s26+$0x16A20]  }
0x68: {  	v23 =	vld [tilespmem:s26+$0x16A30]  }
0x69: {  	v27 =	vld [tilespmem:s26+$0x14230]  }
0x6a: {  	v24 =	vld [tilespmem:s26+$0x16A40]  }
0x6b: {  	v28 =	vld [tilespmem:s26+$0x14240]  }
0x6c: {  	v25 =	vld [tilespmem:s26+$0x16A50]  }
0x6d: {  	v29 =	vld [tilespmem:s26+$0x14250]  }
0x6e: {  	v30 =	vld [tilespmem:s26+$0x14260];
	v8 =	vadd.f32 v8, v27  }
0x6f: {  	v26 =	vld [tilespmem:s26+$0x16A60]  }
0x70: {  	v31 =	vld [tilespmem:s26+$0x14270];
	v9 =	vadd.f32 v9, v28;
	v8 =	vadd.f32 v8, v1  }
0x71: {  	v7 =	vld [tilespmem:s26+$0x16A70]  }
0x72: {  	v61 =	vld [tilespmem:s26+$0x14280];
	v10 =	vadd.f32 v10, v29;
	v9 =	vadd.f32 v9, v1;
	v8 =	vmax.f32 v8, $0.0e+00  }
0x73: {  	v32 =	vld [tilespmem:s26+$0x14290];
	[tilespmem:s26+$0x14230] =	vst v8;
	v8 =	vadd.f32 v11, v30  }
0x74: {  	v6 =	vld [tilespmem:s26+$0x16A80];
	v10 =	vadd.f32 v10, v1;
	v9 =	vmax.f32 v9, $0.0e+00  }
0x75: {  	v62 =	vld [tilespmem:s26+$0x142A0];
	[tilespmem:s26+$0x14240] =	vst v9;
	v9 =	vadd.f32 v12, v31;
	v8 =	vadd.f32 v8, v1  }
0x76: {  	v5 =	vld [tilespmem:s26+$0x16A90];
	v10 =	vmax.f32 v10, $0.0e+00  }
0x77: {  	v33 =	vld [tilespmem:s26+$0x142B0];
	[tilespmem:s26+$0x14250] =	vst v10;
	v10 =	vadd.f32 v13, v61;
	v9 =	vadd.f32 v9, v1;
	v8 =	vmax.f32 v8, $0.0e+00  }
0x78: {  	v63 =	vld [tilespmem:s26+$0x142C0];
	[tilespmem:s26+$0x14260] =	vst v8;
	v8 =	vadd.f32 v14, v32  }
0x79: {  	v4 =	vld [tilespmem:s26+$0x16AA0];
	v10 =	vadd.f32 v10, v1;
	v9 =	vmax.f32 v9, $0.0e+00  }
0x7a: {  	v11 =	vld [tilespmem:s26+$0x142D0];
	[tilespmem:s26+$0x14270] =	vst v9;
	v9 =	vadd.f32 v15, v62;
	v8 =	vadd.f32 v8, v1  }
0x7b: {  	v3 =	vld [tilespmem:s26+$0x16AB0];
	v10 =	vmax.f32 v10, $0.0e+00  }
0x7c: {  	v12 =	vld [tilespmem:s26+$0x142E0];
	[tilespmem:s26+$0x14280] =	vst v10;
	v10 =	vadd.f32 v16, v33;
	v9 =	vadd.f32 v9, v1;
	v8 =	vmax.f32 v8, $0.0e+00  }
0x7d: {  	v13 =	vld [tilespmem:s26+$0x142F0];
	[tilespmem:s26+$0x14290] =	vst v8;
	v8 =	vadd.f32 v17, v63  }
0x7e: {  	v2 =	vld [tilespmem:s26+$0x16AC0];
	v10 =	vadd.f32 v10, v1;
	v9 =	vmax.f32 v9, $0.0e+00  }
0x7f: {  	v14 =	vld [tilespmem:s26+$0x14300];
	[tilespmem:s26+$0x142A0] =	vst v9;
	v9 =	vadd.f32 v18, v11;
	v8 =	vadd.f32 v8, v1  }
0x80: {  	v15 =	vld [tilespmem:s26+$0x14310];
	v10 =	vmax.f32 v10, $0.0e+00  }
0x81: {  	v16 =	vld [tilespmem:s26+$0x14320];
	[tilespmem:s26+$0x142B0] =	vst v10;
	v10 =	vadd.f32 v19, v12;
	v9 =	vadd.f32 v9, v1;
	v8 =	vmax.f32 v8, $0.0e+00  }
0x82: {  	v17 =	vld [tilespmem:s26+$0x14330];
	[tilespmem:s26+$0x142C0] =	vst v8;
	v8 =	vadd.f32 v20, v13  }
0x83: {  	v18 =	vld [tilespmem:s26+$0x14340];
	v10 =	vadd.f32 v10, v1;
	v11 =	vmax.f32 v9, $0.0e+00  }
0x84: {  	v12 =	vld [tilespmem:s26+$0x14350];
	[tilespmem:s26+$0x142D0] =	vst v11;
	v11 =	vadd.f32 v21, v14;
	v13 =	vadd.f32 v8, v1  }
0x85: {  	v9 =	vld [tilespmem:s26+$0x14360];
	v10 =	vmax.f32 v10, $0.0e+00;
	v14 =	vadd.f32 v22, v15  }
0x86: {  	[tilespmem:s26+$0x142E0] =	vst v10;
	v15 =	vadd.f32 v23, v16;
	v8 =	vld [tilespmem:s26+$0x14370];
	v11 =	vadd.f32 v11, v1;
	v13 =	vmax.f32 v13, $0.0e+00  }
0x87: {  	v10 =	vld [tilespmem:s26+$0x14380];
	[tilespmem:s26+$0x142F0] =	vst v13;
	v13 =	vadd.f32 v14, v1;
	v14 =	vadd.f32 v24, v17  }
0x88: {  	v16 =	vadd.f32 v25, v18;
	v15 =	vadd.f32 v15, v1;
	v17 =	vmax.f32 v11, $0.0e+00;
	v11 =	vld [tilespmem:s26+$0x14390]  }
0x89: {  	s28 =	simm.s32 $0x640;
	[tilespmem:s26+$0x14300] =	vst v17;
	v17 =	vmax.f32 v13, $0.0e+00;
	v13 =	vadd.f32 v14, v1;
	v14 =	vadd.f32 v26, v12;
	v12 =	vld [tilespmem:s26+$0x143A0]  }
.LBB2_4:
0x8a: {  	s2 =	sshra.s32 s28, $0x2;
	p0 =	sne.s32 s28, $0x9600;
	[tilespmem:s26+$0x14310] =	vst v17;
	v15 =	vmax.f32 v15, $0.0e+00;
	v16 =	vadd.f32 v16, v1;
	v7 =	vadd.f32 v7, v9;
	v9 =	vld [tilespmem:s26+$0x143B0]  }
0x8b: {  	v17 =	vld [tilespmem:s2+$0x16940];
	[tilespmem:s26+$0x14320] =	vst v15;
	v13 =	vmax.f32 v13, $0.0e+00;
	v14 =	vadd.f32 v14, v1;
	v6 =	vadd.f32 v6, v8  }
0x8c: {  	v8 =	vld [tilespmem:s2+$0x16950];
	[tilespmem:s26+$0x14330] =	vst v13;
	v13 =	vmax.f32 v16, $0.0e+00;
	v7 =	vadd.f32 v7, v1;
	v5 =	vadd.f32 v5, v10  }
0x8d: {  	v10 =	vld [tilespmem:s2+$0x16960];
	[tilespmem:s26+$0x14340] =	vst v13;
	v13 =	vmax.f32 v14, $0.0e+00;
	v6 =	vadd.f32 v6, v1;
	v4 =	vadd.f32 v4, v11  }
0x8e: {  	v11 =	vld [tilespmem:s2+$0x16970];
	[tilespmem:s26+$0x14350] =	vst v13;
	v7 =	vmax.f32 v7, $0.0e+00;
	v5 =	vadd.f32 v5, v1;
	v3 =	vadd.f32 v3, v12  }
0x8f: {  	v12 =	vld [tilespmem:s2+$0x16980];
	[tilespmem:s26+$0x14360] =	vst v7;
	v6 =	vmax.f32 v6, $0.0e+00;
	v4 =	vadd.f32 v4, v1;
	v2 =	vadd.f32 v2, v9  }
0x90: {  	v9 =	vld [tilespmem:s2+$0x16990];
	[tilespmem:s26+$0x14370] =	vst v6;
	v5 =	vmax.f32 v5, $0.0e+00;
	v3 =	vadd.f32 v3, v1  }
0x91: {  	v13 =	vld [tilespmem:s2+$0x169A0];
	[tilespmem:s26+$0x14380] =	vst v5;
	v4 =	vmax.f32 v4, $0.0e+00;
	v2 =	vadd.f32 v2, v1  }
0x92: {  	v14 =	vld [tilespmem:s2+$0x169B0];
	[tilespmem:s26+$0x14390] =	vst v4;
	v3 =	vmax.f32 v3, $0.0e+00  }
0x93: {  	v15 =	vld [tilespmem:s2+$0x169C0];
	[tilespmem:s26+$0x143A0] =	vst v3;
	v2 =	vmax.f32 v2, $0.0e+00  }
0x94: {  	v16 =	vld [tilespmem:s2+$0x169D0];
	[tilespmem:s26+$0x143B0] =	vst v2;
	s26 =	smov.u32 s2  }
0x95: {  	v18 =	vld [tilespmem:s26+$0x169E0]  }
0x96: {  	v19 =	vld [tilespmem:s26+$0x169F0]  }
0x97: {  	v20 =	vld [tilespmem:s26+$0x16A00]  }
0x98: {  	v21 =	vld [tilespmem:s26+$0x16A10]  }
0x99: {  	v22 =	vld [tilespmem:s26+$0x16A20]  }
0x9a: {  	v23 =	vld [tilespmem:s26+$0x16A30]  }
0x9b: {  	v24 =	vld [tilespmem:s26+$0x16A40]  }
0x9c: {  	v25 =	vld [tilespmem:s26+$0x16A50]  }
0x9d: {  	v26 =	vld [tilespmem:s26+$0x16A60]  }
0x9e: {  	v7 =	vld [tilespmem:s26+$0x16A70]  }
0x9f: {  	v6 =	vld [tilespmem:s26+$0x16A80]  }
0xa0: {  	v5 =	vld [tilespmem:s26+$0x16A90]  }
0xa1: {  	v4 =	vld [tilespmem:s26+$0x16AA0]  }
0xa2: {  	v3 =	vld [tilespmem:s26+$0x16AB0]  }
0xa3: {  	v2 =	vld [tilespmem:s26+$0x16AC0]  }
0xa4: {  	v27 =	vld [tilespmem:s26+$0x14230]  }
0xa5: {  	v28 =	vld [tilespmem:s26+$0x14240]  }
0xa6: {  	v29 =	vld [tilespmem:s26+$0x14250]  }
0xa7: {  	v30 =	vld [tilespmem:s26+$0x14260]  }
0xa8: {  	v31 =	vld [tilespmem:s26+$0x14270]  }
0xa9: {  	v17 =	vadd.f32 v17, v27;
	v27 =	vld [tilespmem:s26+$0x14280]  }
0xaa: {  	v8 =	vadd.f32 v8, v28;
	v28 =	vld [tilespmem:s26+$0x14290]  }
0xab: {  	v17 =	vadd.f32 v17, v1;
	v10 =	vadd.f32 v10, v29;
	v29 =	vld [tilespmem:s26+$0x142A0]  }
0xac: {  	v8 =	vadd.f32 v8, v1;
	v11 =	vadd.f32 v11, v30;
	v30 =	vld [tilespmem:s26+$0x142B0]  }
0xad: {  	v17 =	vmax.f32 v17, $0.0e+00;
	v10 =	vadd.f32 v10, v1;
	v12 =	vadd.f32 v12, v31;
	v31 =	vld [tilespmem:s26+$0x142C0]  }
0xae: {  	[tilespmem:s26+$0x14230] =	vst v17;
	v8 =	vmax.f32 v8, $0.0e+00;
	v11 =	vadd.f32 v11, v1;
	v9 =	vadd.f32 v9, v27;
	v17 =	vld [tilespmem:s26+$0x142D0]  }
0xaf: {  	[tilespmem:s26+$0x14240] =	vst v8;
	v8 =	vmax.f32 v10, $0.0e+00;
	v10 =	vadd.f32 v12, v1;
	v12 =	vadd.f32 v13, v28;
	v13 =	vld [tilespmem:s26+$0x142E0]  }
0xb0: {  	[tilespmem:s26+$0x14250] =	vst v8;
	v8 =	vmax.f32 v11, $0.0e+00;
	v9 =	vadd.f32 v9, v1;
	v11 =	vadd.f32 v14, v29;
	v14 =	vld [tilespmem:s26+$0x142F0]  }
0xb1: {  	[tilespmem:s26+$0x14260] =	vst v8;
	v8 =	vmax.f32 v10, $0.0e+00;
	v10 =	vadd.f32 v12, v1;
	v12 =	vadd.f32 v15, v30;
	v15 =	vld [tilespmem:s26+$0x14300]  }
0xb2: {  	[tilespmem:s26+$0x14270] =	vst v8;
	v8 =	vmax.f32 v9, $0.0e+00;
	v9 =	vadd.f32 v11, v1;
	v11 =	vadd.f32 v16, v31;
	v16 =	vld [tilespmem:s26+$0x14310]  }
0xb3: {  	[tilespmem:s26+$0x14280] =	vst v8;
	v8 =	vmax.f32 v10, $0.0e+00;
	v10 =	vadd.f32 v12, v1;
	v12 =	vadd.f32 v18, v17;
	v17 =	vld [tilespmem:s26+$0x14320]  }
0xb4: {  	[tilespmem:s26+$0x14290] =	vst v8;
	v8 =	vmax.f32 v9, $0.0e+00;
	v9 =	vadd.f32 v11, v1;
	v11 =	vadd.f32 v19, v13;
	v13 =	vld [tilespmem:s26+$0x14330]  }
0xb5: {  	[tilespmem:s26+$0x142A0] =	vst v8;
	v8 =	vmax.f32 v10, $0.0e+00;
	v10 =	vadd.f32 v12, v1;
	v12 =	vadd.f32 v20, v14;
	v14 =	vld [tilespmem:s26+$0x14340]  }
0xb6: {  	[tilespmem:s26+$0x142B0] =	vst v8;
	v8 =	vmax.f32 v9, $0.0e+00;
	v11 =	vadd.f32 v11, v1;
	v15 =	vadd.f32 v21, v15;
	v18 =	vld [tilespmem:s26+$0x14350]  }
.Ltmp3:
0xb7: {  	[tilespmem:s26+$0x142C0] =	vst v8;
	v8 =	vmax.f32 v10, $0.0e+00;
	v10 =	vadd.f32 v12, v1;
	v12 =	vadd.f32 v22, v16;
	v9 =	vld [tilespmem:s26+$0x14360];
	(pc) =	sbr.rel @p0 .LBB2_4-.Ltmp3, $4  }
0xb8: {  	[tilespmem:s26+$0x142D0] =	vst v8;
	v11 =	vmax.f32 v11, $0.0e+00;
	v15 =	vadd.f32 v15, v1;
	v16 =	vadd.f32 v23, v17;
	v8 =	vld [tilespmem:s26+$0x14370]  }
0xb9: {  	[tilespmem:s26+$0x142E0] =	vst v11;
	v11 =	vmax.f32 v10, $0.0e+00;
	v12 =	vadd.f32 v12, v1;
	v13 =	vadd.f32 v24, v13;
	v10 =	vld [tilespmem:s26+$0x14380]  }
0xba: {  	[tilespmem:s26+$0x142F0] =	vst v11;
	v17 =	vmax.f32 v15, $0.0e+00;
	v15 =	vadd.f32 v16, v1;
	v16 =	vadd.f32 v25, v14;
	v11 =	vld [tilespmem:s26+$0x14390]  }
0xbb: {  	s28 =	sadd.s32 $0x640, s28;
	[tilespmem:s26+$0x14300] =	vst v17;
	v17 =	vmax.f32 v12, $0.0e+00;
	v13 =	vadd.f32 v13, v1;
	v14 =	vadd.f32 v26, v18;
	v12 =	vld [tilespmem:s26+$0x143A0]  }
0xbc: {  	[tilespmem:s26+$0x14310] =	vst v17;
	v15 =	vmax.f32 v15, $0.0e+00;
	v16 =	vadd.f32 v16, v1;
	v7 =	vadd.f32 v7, v9;
	v61 =	vld [tilespmem:s26+$0x143B0]  }
0xbd: {  	[tilespmem:s26+$0x14320] =	vst v15;
	v13 =	vmax.f32 v13, $0.0e+00;
	v14 =	vadd.f32 v14, v1;
	v6 =	vadd.f32 v6, v8  }
0xbe: {  	[tilespmem:s26+$0x14330] =	vst v13;
	v62 =	vmax.f32 v16, $0.0e+00;
	v7 =	vadd.f32 v7, v1;
	v5 =	vadd.f32 v5, v10  }
0xbf: {  	[tilespmem:s26+$0x14340] =	vst v62;
	v63 =	vmax.f32 v14, $0.0e+00;
	v6 =	vadd.f32 v6, v1;
	v4 =	vadd.f32 v4, v11  }
0xc0: {  	[tilespmem:s26+$0x14350] =	vst v63;
	v7 =	vmax.f32 v7, $0.0e+00;
	v5 =	vadd.f32 v5, v1;
	v3 =	vadd.f32 v3, v12  }
0xc1: {  	[tilespmem:s26+$0x14360] =	vst v7;
	v6 =	vmax.f32 v6, $0.0e+00;
	v4 =	vadd.f32 v4, v1;
	v2 =	vadd.f32 v2, v61  }
0xc2: {  	[tilespmem:s26+$0x14370] =	vst v6;
	v5 =	vmax.f32 v5, $0.0e+00;
	v3 =	vadd.f32 v3, v1  }
0xc3: {  	[tilespmem:s26+$0x14380] =	vst v5;
	v4 =	vmax.f32 v4, $0.0e+00;
	v1 =	vadd.f32 v2, v1  }
0xc4: {  	[tilespmem:s26+$0x14390] =	vst v4;
	v2 =	vmax.f32 v3, $0.0e+00  }
0xc5: {  	[tilespmem:s26+$0x143A0] =	vst v2;
	v1 =	vmax.f32 v1, $0.0e+00  }
0xc6: {  	[tilespmem:s26+$0x143B0] =	vst v1  }
0xc7: {  	[spmem:s11] =	stream.linear.scatter [tilespmem:s17], [sflag:$0x5], $0x2710, $0x38;
	[tilespmem:$0x19060] =	vst v63  }
0xc8: {  	_ =	swait.ge [sflag:s14], $0x2710  }
0xc9: {  	[sflag:s14] =	ssyncset.done $0x0  }
0xca: {  	s28 =	simm.s32 $0x0;
	[sflag:s14] =	ssyncadd.s32 $0xFFFFD8F0  }
0xcb: {  	s29 =	simm.s32 $0x2710;
	s26 =	simm.s32 $0x3E8;
	[bflag:$0x0] =	sbarrier.arrive $0xFFFF  }
0xcc: {  	[tilespmem:s20], [sflag:$0x1] =	stream.indirect.gather [spmem:s4], $0x10, s28, s26, $0xb8;
	[tilespmem:$0x19060] =	vst v63  }
.LBB2_6:
0xcd: {  	s2 =	sand.u32 $0x1, s28;
	p0 =	seq.s32 s28, $0x0  }
0xce: {  	s31 =	sadd.s32 $0x1, s2;
	p1 =	seq.s32 @!p0 s28, $0x9  }
0xcf: {  	_ =	swait.ge [sflag:s31], $0x3E80;
	p1 =	por p0, !p1  }
.Ltmp4:
0xd0: {  	s30 =	sxor.u32 @!p0 $0x1, s2;
	[sflag:s31] =	ssyncset.done $0x0;
	(pc) =	sbr.rel @!p1 .LBB2_8-.Ltmp4, $4  }
0xd1: {  	s0 =	smul.u32 $0xFA00, s2;
	s1 =	sadd.s32 @!p0 $0x3, s30;
	[sflag:s31] =	ssyncadd.s32 $0xFFFFC180  }
0xd2: {  	_ =	swait.ge @!p0 [sflag:s1], $0x3E80  }
0xd3: {  	s0 =	sshrl.u32 s0, $0x2;
	[sflag:s1] =	ssyncset.done @!p0 $0x0  }
0xd4: {  	s2 =	sadd.s32 $0x3, s2;
	s31 =	sadd.s32 $0x4E20, s0;
	[sflag:s1] =	ssyncadd.s32 @!p0 $0xFFFFC180  }
0xd5: {  	s30 =	simm.s32 @p0 $0x1  }
0xd6: {  	s0 =	smul.u32 $0xFA00, s30;
	_ =	sdelay $0x1  }
0xd7: {  	s0 =	sshrl.u32 s0, $0x2  }
.Ltmp5:
0xd8: {  	s1 =	sadd.s32 $0x1, s30;
	s0 =	sadd.s32 $0x4E20, s0;
	(pc) =	sbr.rel .LBB2_6-.Ltmp5, $4  }
0xd9: {  	[tilespmem:s0], [sflag:s1] =	stream.indirect.gather [spmem:s4], $0x10, s26, s21, $0xb8;
	[tilespmem:$0x19060] =	vst v63  }
0xda: {  	_ = 	snop  }
0xdb: {  	[spmem:s3] =	stream.indirect.scatter.add.f32 [tilespmem:s31], [sflag:s2], $0x10, s29, s21, $0xb8;
	[tilespmem:$0x19060] =	vst v63  }
0xdc: {  	s28 =	sadd.s32 $0x1, s28;
	s26 =	sadd.s32 $0x3E8, s26;
	s29 =	sadd.s32 $0x3E8, s29  }
.LBB2_9:
0xdd: {  	_ =	sfence.sel $0x180000  }
0xde: {  	[bflag:$0x0] =	sbarrier.arrive $0xFFFF  }
0xdf: {  	_ =	strace $0x9000004A  }
0xe0: {  	s0 =	stileid.u32;
	[bflag:$0x2] =	sbarrier.arrive $0xFFFF  }
0xe1: {  	p0 =	sne.s32 s0, $0x0;
	s0 =	rddreg [dreg:$0x5]  }
0xe2: {  	s0 =	sadd.s32 @!p0 $0x100000, s0  }
0xe3: {  	[sflag:s0] =	ssyncadd.tile.s32 @!p0 $0x1;
	_ =	shalt  }
.Lfunc_end2:
_tile_overlayer_lowered:
.L_overlay_start_2:
0xe4: {  	(tag) =	ssettag $0x2  }
0xe5: {  	s0 =	rddreg [dreg:$0x0];
	s2 =	stileid.u32  }
0xe6: {  	s1 =	rddreg [dreg:$0x1];
	p0 =	sne.s32 s2, $0x0  }
0xe7: {  	s3 =	rddreg [dreg:$0x2];
	[bflag:$0x3] =	sbarrier.arrive $0xFFFF;
	s2 =	simm.s32 @!p0 $0x1C05  }
0xe8: {  	[timem:s3], [sflag:s2] =	dma.local @!p0 [hbm:s0], s1  }
0xe9: {  	s0 =	simm.s32 @!p0 $0x5  }
0xea: {  	_ =	swait.ge @!p0 [sflag:s0], s1  }
0xeb: {  	s1 =	ssub.s32 @!p0 $0x0, s1;
	[sflag:s0] =	ssyncset.done @!p0 $0x0  }
0xec: {  	[sflag:s0] =	ssyncadd.s32 @!p0 s1  }
0xed: {  	[bflag:$0x3] =	sbarrier.arrive $0xFFFF  }
0xee: {  	_ =	shalt  }

</sc_bundles>
